<compile_context>
chip_gen: v7x
topology: tpu7x:2x2x1
jax: 0.10.2.dev20260603
libtpu: 0.0.44.dev20260713+nightly
codegen_flags: <defaults>
</compile_context>

<pallas_src>
import functools

import jax
import jax.numpy as jnp
from jax import lax
from jax.experimental import pallas as pl
from jax.experimental.pallas import tpu as pltpu
from jax.experimental.pallas import tpu_sc as plsc

_V = 1000
_VP = 1024
_N = 51200
_LANES = 16

_NS = 1
_SN = _N // _NS
_NW = 32
_SPW = _SN // _NW
_CHUNK = 40
_STEPS = _SPW // _CHUNK
_TLC = 80

def _lse_body(table_ref, lse_ref):
    x = table_ref[...]
    m = jnp.max(x, axis=1)
    s = jnp.sum(jnp.exp(x - m[:, None]), axis=1)
    lse_ref[...] = jnp.pad(jnp.log(s) + m, (0, _VP - _V))


def _table_lse(table):
    return pl.pallas_call(
        _lse_body,
        out_shape=jax.ShapeDtypeStruct((_VP,), jnp.float32),
    )(table)


def _sc_body(stage, table_hbm, flat_hbm, idx_hbm, tgt_hbm, lse_hbm,
             slab_hbm, psum_hbm,
             idx_v, fi_v, lse_v, tl_v, rows0_v, rows1_v, acc_v,
             sg0, sg1, sw0, sw1, st):
    wid = lax.axis_index("s") * 2 + lax.axis_index("c")
    base = stage * _SN + wid * _SPW
    lbase = wid * _SPW

    pltpu.sync_copy(idx_hbm.at[pl.ds(base, _SPW)], idx_v)
    pltpu.sync_copy(tgt_hbm.at[pl.ds(base, _SPW)], fi_v)
    pltpu.sync_copy(lse_hbm, lse_v)

    def flatten(i, _):
        o = i * _LANES
        fi_v[pl.ds(o, _LANES)] = (
            idx_v[pl.ds(o, _LANES)] * _V + fi_v[pl.ds(o, _LANES)])
        return 0

    lax.fori_loop(0, _SPW // _LANES, flatten, 0)

    def tl_start(g, _):
        pltpu.async_copy(
            flat_hbm.at[fi_v.at[pl.ds(g * _TLC, _TLC)]],
            tl_v.at[pl.ds(g * _TLC, _TLC)], st)
        return 0

    lax.fori_loop(0, _SPW // _TLC, tl_start, 0)

    rows = (rows0_v, rows1_v)
    sg = (sg0, sg1)
    sw = (sw0, sw1)

    def gather_start(c, b):
        pltpu.async_copy(
            table_hbm.at[idx_v.at[pl.ds(c * _CHUNK, _CHUNK)]],
            rows[b], sg[b])

    def gather_wait(c, b):
        pltpu.make_async_copy(
            table_hbm.at[idx_v.at[pl.ds(c * _CHUNK, _CHUNK)]],
            rows[b], sg[b]).wait()

    def write_start(c, b):
        pltpu.async_copy(
            rows[b], slab_hbm.at[pl.ds(lbase + c * _CHUNK, _CHUNK)], sw[b])

    def write_wait(c, b):
        pltpu.make_async_copy(
            rows[b], slab_hbm.at[pl.ds(lbase + c * _CHUNK, _CHUNK)],
            sw[b]).wait()

    gather_start(0, 0)

    def outer(o, _):
        for b in range(2):
            c = 2 * o + b
            if b == 0:
                @pl.when(o >= 1)
                def _w():
                    write_wait(c - 1, 1)
                gather_start(c + 1, 1)
            else:
                write_wait(c - 1, 0)

                @pl.when(o < _STEPS // 2 - 1)
                def _w():
                    gather_start(c + 1, 0)
            gather_wait(c, b)
            write_start(c, b)
        return 0

    lax.fori_loop(0, _STEPS // 2, outer, 0)

    def tl_drain(g, _):
        pltpu.make_async_copy(
            flat_hbm.at[fi_v.at[pl.ds(g * _TLC, _TLC)]],
            tl_v.at[pl.ds(g * _TLC, _TLC)], st).wait()
        return 0

    lax.fori_loop(0, _SPW // _TLC, tl_drain, 0)

    def loss_grp(j, acc):
        o = j * _LANES
        iv16 = idx_v[pl.ds(o, _LANES)]
        for k in range(_LANES):
            lse16 = lse_v[pl.ds(iv16[k], _LANES)]
            tl16 = tl_v[pl.ds(o + k, _LANES)]
            acc = acc + (lse16 - tl16)
        return acc

    zero = jnp.zeros((_LANES,), jnp.float32)
    acc = lax.fori_loop(0, _SPW // _LANES, loss_grp, zero)
    write_wait(_STEPS - 1, 1)
    lane = lax.broadcasted_iota(jnp.int32, (_LANES,), 0)
    acc_v[...] = jnp.where(lane == 0, acc, zero)
    pltpu.sync_copy(acc_v, psum_hbm.at[pl.ds(wid * _LANES, _LANES)])


def _make_sc_stage(stage):
    @functools.partial(
        pl.kernel,
        mesh=plsc.VectorSubcoreMesh(
            core_axis_name="c", subcore_axis_name="s"),
        out_type=[
            jax.ShapeDtypeStruct((_SN, _VP), jnp.float32),
            jax.ShapeDtypeStruct((_NW * _LANES,), jnp.float32),
        ],
        scratch_types=[
            pltpu.VMEM((_SPW,), jnp.int32),
            pltpu.VMEM((_SPW,), jnp.int32),
            pltpu.VMEM((_VP,), jnp.float32),
            pltpu.VMEM((_SPW + _LANES,), jnp.float32),
            pltpu.VMEM((_CHUNK, _VP), jnp.float32),
            pltpu.VMEM((_CHUNK, _VP), jnp.float32),
            pltpu.VMEM((_LANES,), jnp.float32),
            pltpu.SemaphoreType.DMA,
            pltpu.SemaphoreType.DMA,
            pltpu.SemaphoreType.DMA,
            pltpu.SemaphoreType.DMA,
            pltpu.SemaphoreType.DMA,
        ],
        name=f"sc_gather_s{stage}",
    )
    def _stage_kernel(*args):
        _sc_body(stage, *args)

    return _stage_kernel


_SC_STAGES = [_make_sc_stage(s) for s in range(_NS)]


def kernel(idx, targets, table):
    idx_f = idx.reshape(_N).astype(jnp.int32)
    tgt_f = targets.reshape(_N).astype(jnp.int32)
    lse = _table_lse(table)
    table_pad = jnp.pad(table, ((0, 0), (0, _VP - _V)))
    flat = table.reshape(_V * _V)

    slab, psum = _SC_STAGES[0](table_pad, flat, idx_f, tgt_f, lse)
    loss = jnp.sum(psum) * (1.0 / _N)
    return slab[:, :_V], loss

# --- scband reference (transcript-rebuilt; emitter-appended) ---
"""Pipeline reference for scband-bigram-language-model-2972117368879 (READ-ONLY COPY).

The authoritative reference and input builder live on the scoring server;
editing this copy changes nothing except your own understanding.
"""

import jax, jax.numpy as jnp
import numpy as np

VOCAB = 1000
B = 1024
T = 50

def setup_inputs(seed: int = 0) -> dict:
    key = jax.random.key(seed)
    k1, k2, k3 = jax.random.split(key, 3)
    idx = jax.random.randint(k1, (B, T), 0, VOCAB)
    targets = jax.random.randint(k2, (B, T), 0, VOCAB)
    # learned parameter: token embedding table [vocab_size, vocab_size]
    table = jax.random.normal(k3, (VOCAB, VOCAB), dtype=jnp.float32)
    return {"idx": idx, "targets": targets, "table": table}

def reference(idx, targets, table):
    # logits = token_embedding_table(idx) -> gather rows of table
    logits = jnp.take(table, idx, axis=0)  # [B, T, C]
    Bd, Td, C = logits.shape
    logits = logits.reshape(Bd * Td, C)
    t = targets.reshape(Bd * Td)
    # F.cross_entropy: mean NLL over log_softmax
    logp = jax.nn.log_softmax(logits, axis=-1)
    nll = -jnp.take_along_axis(logp, t[:, None], axis=1)[:, 0]
    loss = jnp.mean(nll)
    return (logits, loss)

if __name__ == "__main__":
    import jax
    _d = setup_inputs()
    print(jax.jit(kernel)(*tuple(_d.values())))

</pallas_src>

<mosaic_0001>
#map = affine_map<(d0, d1) -> (0, 0)>
#map1 = affine_map<(d0, d1) -> (0)>
module attributes {stable_mosaic.version = 14 : i64} {
  func.func @sc_gather_s0(%arg0: i32, %arg1: i32, %arg2: memref<1000x1024xf32, #tpu.memory_space<hbm>>, %arg3: memref<1000000xf32, #tpu.memory_space<hbm>>, %arg4: memref<51200xi32, #tpu.memory_space<hbm>>, %arg5: memref<51200xi32, #tpu.memory_space<hbm>>, %arg6: memref<1024xf32, #tpu.memory_space<hbm>>, %arg7: memref<51200x1024xf32, #tpu.memory_space<hbm>>, %arg8: memref<512xf32, #tpu.memory_space<hbm>>, %arg9: memref<1600xi32, #tpu.memory_space<vmem>>, %arg10: memref<1600xi32, #tpu.memory_space<vmem>>, %arg11: memref<1024xf32, #tpu.memory_space<vmem>>, %arg12: memref<1616xf32, #tpu.memory_space<vmem>>, %arg13: memref<40x1024xf32, #tpu.memory_space<vmem>>, %arg14: memref<40x1024xf32, #tpu.memory_space<vmem>>, %arg15: memref<16xf32, #tpu.memory_space<vmem>>, %arg16: memref<!tpu.dma_semaphore, #tpu.memory_space<semaphore_mem>>, %arg17: memref<!tpu.dma_semaphore, #tpu.memory_space<semaphore_mem>>, %arg18: memref<!tpu.dma_semaphore, #tpu.memory_space<semaphore_mem>>, %arg19: memref<!tpu.dma_semaphore, #tpu.memory_space<semaphore_mem>>, %arg20: memref<!tpu.dma_semaphore, #tpu.memory_space<semaphore_mem>>) attributes {dimension_semantics = [#tpu.dimension_semantics<core_parallel>, #tpu.dimension_semantics<subcore_parallel>], iteration_bounds = array<i64: 2, 16>, scalar_prefetch = 0 : i64, scratch_operands = 12 : i64, tpu.core_type = #tpu.core_type<sc_vector_subcore>, window_params = [{transform_indices = #map}, {transform_indices = #map1}, {transform_indices = #map1}, {transform_indices = #map1}, {transform_indices = #map1}, {transform_indices = #map}, {transform_indices = #map1}]} {
    %mul3A = arith.constant 2 : i32
    %mul3A_0 = arith.muli %arg1, %mul3A : i32
    %add3A = arith.addi %mul3A_0, %arg0 : i32
    %mul3A_1 = arith.constant 1600 : i32
    %mul3A_2 = arith.muli %add3A, %mul3A_1 : i32
    %add3A_3 = arith.constant 0 : i32
    %add3A_4 = arith.addi %add3A_3, %mul3A_2 : i32
    %mul3A_5 = arith.constant 1600 : i32
    %mul3A_6 = arith.muli %add3A, %mul3A_5 : i32
    "tpu.region"() ({
      %run_scoped3A = tpu.sem_alloc : memref<!tpu.dma_semaphore, #tpu.memory_space<semaphore_mem>>
      %dma_start3A_57 = tpu.memref_slice %arg4[%add3A_4] : memref<51200xi32, #tpu.memory_space<hbm>> -> memref<1600xi32, #tpu.memory_space<hbm>>
      %dma_start3A_58 = tpu.memref_slice %arg4[%add3A_4] : memref<51200xi32, #tpu.memory_space<hbm>> -> memref<1600xi32, #tpu.memory_space<hbm>>
      tpu.enqueue_dma source(%dma_start3A_58 : memref<1600xi32, #tpu.memory_space<hbm>>) target(%arg9 : memref<1600xi32, #tpu.memory_space<vmem>>) target_semaphore(%run_scoped3A : memref<!tpu.dma_semaphore, #tpu.memory_space<semaphore_mem>>)
      %dma_wait3A_59 = tpu.memref_slice %arg4[%add3A_4] : memref<51200xi32, #tpu.memory_space<hbm>> -> memref<1600xi32, #tpu.memory_space<hbm>>
      %dma_wait3A_60 = tpu.memref_slice %arg4[%add3A_4] : memref<51200xi32, #tpu.memory_space<hbm>> -> memref<1600xi32, #tpu.memory_space<hbm>>
      tpu.wait_dma2 semaphore(%run_scoped3A : memref<!tpu.dma_semaphore, #tpu.memory_space<semaphore_mem>>) src(%dma_wait3A_60 : memref<1600xi32, #tpu.memory_space<hbm>>) dst(%arg9 : memref<1600xi32, #tpu.memory_space<vmem>>)
      tpu.yield
    }) : () -> ()
    "tpu.region"() ({
      %run_scoped3A = tpu.sem_alloc : memref<!tpu.dma_semaphore, #tpu.memory_space<semaphore_mem>>
      %dma_start3A_57 = tpu.memref_slice %arg5[%add3A_4] : memref<51200xi32, #tpu.memory_space<hbm>> -> memref<1600xi32, #tpu.memory_space<hbm>>
      %dma_start3A_58 = tpu.memref_slice %arg5[%add3A_4] : memref<51200xi32, #tpu.memory_space<hbm>> -> memref<1600xi32, #tpu.memory_space<hbm>>
      tpu.enqueue_dma source(%dma_start3A_58 : memref<1600xi32, #tpu.memory_space<hbm>>) target(%arg10 : memref<1600xi32, #tpu.memory_space<vmem>>) target_semaphore(%run_scoped3A : memref<!tpu.dma_semaphore, #tpu.memory_space<semaphore_mem>>)
      %dma_wait3A_59 = tpu.memref_slice %arg5[%add3A_4] : memref<51200xi32, #tpu.memory_space<hbm>> -> memref<1600xi32, #tpu.memory_space<hbm>>
      %dma_wait3A_60 = tpu.memref_slice %arg5[%add3A_4] : memref<51200xi32, #tpu.memory_space<hbm>> -> memref<1600xi32, #tpu.memory_space<hbm>>
      tpu.wait_dma2 semaphore(%run_scoped3A : memref<!tpu.dma_semaphore, #tpu.memory_space<semaphore_mem>>) src(%dma_wait3A_60 : memref<1600xi32, #tpu.memory_space<hbm>>) dst(%arg10 : memref<1600xi32, #tpu.memory_space<vmem>>)
      tpu.yield
    }) : () -> ()
    "tpu.region"() ({
      %run_scoped3A = tpu.sem_alloc : memref<!tpu.dma_semaphore, #tpu.memory_space<semaphore_mem>>
      tpu.enqueue_dma source(%arg6 : memref<1024xf32, #tpu.memory_space<hbm>>) target(%arg11 : memref<1024xf32, #tpu.memory_space<vmem>>) target_semaphore(%run_scoped3A : memref<!tpu.dma_semaphore, #tpu.memory_space<semaphore_mem>>)
      tpu.wait_dma2 semaphore(%run_scoped3A : memref<!tpu.dma_semaphore, #tpu.memory_space<semaphore_mem>>) src(%arg6 : memref<1024xf32, #tpu.memory_space<hbm>>) dst(%arg11 : memref<1024xf32, #tpu.memory_space<vmem>>)
      tpu.yield
    }) : () -> ()
    %scan3A = arith.constant 0 : i32
    %scan3A_7 = arith.constant 0 : i32
    %scan3A_8 = arith.constant 100 : i32
    %scan3A_9 = arith.addi %scan3A_7, %scan3A_8 : i32
    %scan3A_10 = arith.constant 1 : i32
    %scan3A_11 = scf.for %scan3A_57 = %scan3A_7 to %scan3A_9 step %scan3A_10 iter_args(%scan3A_58 = %scan3A) -> (i32)  : i32 {
      %mul3A_59 = arith.constant 16 : i32
      %mul3A_60 = arith.muli %scan3A_57, %mul3A_59 : i32
      %get3A = arith.index_cast %mul3A_60 : i32 to index
      %get3A_61 = tpu.vector_load %arg9[%get3A] {strides = array<i32>} : memref<1600xi32, #tpu.memory_space<vmem>>, vector<16xi32>,
      %get3A_62 = vector.shape_cast %get3A_61 : vector<16xi32> to vector<16xi32>
      %mul3A_63 = arith.constant 1000 : i32
      %mul3A_64 = vector.broadcast %mul3A_63 : i32 to vector<16xi32>
      %mul3A_65 = arith.muli %get3A_62, %mul3A_64 : vector<16xi32>
      %get3A_66 = arith.index_cast %mul3A_60 : i32 to index
      %get3A_67 = tpu.vector_load %arg10[%get3A_66] {strides = array<i32>} : memref<1600xi32, #tpu.memory_space<vmem>>, vector<16xi32>,
      %get3A_68 = vector.shape_cast %get3A_67 : vector<16xi32> to vector<16xi32>
      %add3A_69 = arith.addi %mul3A_65, %get3A_68 : vector<16xi32>
      %swap3A_70 = arith.index_cast %mul3A_60 : i32 to index
      %swap3A_71 = tpu.vector_load %arg10[%swap3A_70] {strides = array<i32>} : memref<1600xi32, #tpu.memory_space<vmem>>, vector<16xi32>,
      %swap3A_72 = vector.shape_cast %swap3A_71 : vector<16xi32> to vector<16xi32>
      %swap3A_73 = vector.shape_cast %add3A_69 : vector<16xi32> to vector<16xi32>
      tpu.vector_store %arg10[%swap3A_70], %swap3A_73 {strides = array<i32>} : memref<1600xi32, #tpu.memory_space<vmem>>, vector<16xi32>,
      %scan3A_74 = arith.constant 0 : i32
      scf.yield %scan3A_74 : i32
    }
    %scan3A_12 = arith.constant 100 : i32
    %scan3A_13 = arith.constant 0 : i32
    %scan3A_14 = arith.constant 0 : i32
    %scan3A_15 = arith.constant 20 : i32
    %scan3A_16 = arith.addi %scan3A_14, %scan3A_15 : i32
    %scan3A_17 = arith.constant 1 : i32
    %scan3A_18 = scf.for %scan3A_57 = %scan3A_14 to %scan3A_16 step %scan3A_17 iter_args(%scan3A_58 = %scan3A_13) -> (i32)  : i32 {
      %mul3A_59 = arith.constant 80 : i32
      %mul3A_60 = arith.muli %scan3A_57, %mul3A_59 : i32
      %mul3A_61 = arith.constant 80 : i32
      %mul3A_62 = arith.muli %scan3A_57, %mul3A_61 : i32
      %dma_start3A_63 = tpu.memref_slice %arg12[%mul3A_62] : memref<1616xf32, #tpu.memory_space<vmem>> -> memref<80xf32, #tpu.memory_space<vmem>>
      %dma_start3A_64 = tpu.memref_slice %arg10[%mul3A_60] : memref<1600xi32, #tpu.memory_space<vmem>> -> memref<80xi32, #tpu.memory_space<vmem>>
      %dma_start3A_65 = arith.constant 0 : i32
      %dma_start3A_66 = tpu.memref_slice %arg3[%dma_start3A_65] : memref<1000000xf32, #tpu.memory_space<hbm>> -> memref<1000000xf32, #tpu.memory_space<hbm>>
      tpu.enqueue_indirect_dma source(%dma_start3A_66 : memref<1000000xf32, #tpu.memory_space<hbm>>) target(%dma_start3A_63 : memref<80xf32, #tpu.memory_space<vmem>>) offsets(%dma_start3A_64 : memref<80xi32, #tpu.memory_space<vmem>>) semaphore(%arg20 : memref<!tpu.dma_semaphore, #tpu.memory_space<semaphore_mem>>)
      %scan3A_67 = arith.constant 0 : i32
      scf.yield %scan3A_67 : i32
    }
    %scan3A_19 = arith.constant 20 : i32
    %dma_start3A = arith.constant 0 : i32
    %dma_start3A_20 = tpu.memref_slice %arg9[%dma_start3A] : memref<1600xi32, #tpu.memory_space<vmem>> -> memref<40xi32, #tpu.memory_space<vmem>>
    %dma_start3A_21 = arith.constant 0 : i32
    %dma_start3A_22 = arith.constant 0 : i32
    %dma_start3A_23 = tpu.memref_slice %arg2[%dma_start3A_21, %dma_start3A_22] : memref<1000x1024xf32, #tpu.memory_space<hbm>> -> memref<1000x1024xf32, #tpu.memory_space<hbm>>
    tpu.enqueue_indirect_dma source(%dma_start3A_23 : memref<1000x1024xf32, #tpu.memory_space<hbm>>) target(%arg13 : memref<40x1024xf32, #tpu.memory_space<vmem>>) offsets(%dma_start3A_20 : memref<40xi32, #tpu.memory_space<vmem>>) semaphore(%arg16 : memref<!tpu.dma_semaphore, #tpu.memory_space<semaphore_mem>>)
    %scan3A_24 = arith.constant 0 : i32
    %scan3A_25 = arith.constant 0 : i32
    %scan3A_26 = arith.constant 20 : i32
    %scan3A_27 = arith.addi %scan3A_25, %scan3A_26 : i32
    %scan3A_28 = arith.constant 1 : i32
    %scan3A_29 = scf.for %scan3A_57 = %scan3A_25 to %scan3A_27 step %scan3A_28 iter_args(%scan3A_58 = %scan3A_24) -> (i32)  : i32 {
      %mul3A_59 = arith.constant 2 : i32
      %mul3A_60 = arith.muli %mul3A_59, %scan3A_57 : i32
      %add3A_61 = arith.constant 0 : i32
      %add3A_62 = arith.addi %mul3A_60, %add3A_61 : i32
      %ge3A = arith.constant 1 : i32
      %ge3A_63 = arith.cmpi sge, %scan3A_57, %ge3A : i32
      %convert_element_type3A = arith.extui %ge3A_63 : i1 to i32
      %cond3A = arith.constant 0 : i32
      %cond3A_64 = arith.cmpi ne, %convert_element_type3A, %cond3A : i32
      scf.if %cond3A_64 {
        %sub3A_116 = arith.constant 1 : i32
        %sub3A_117 = arith.subi %add3A_62, %sub3A_116 : i32
        %mul3A_118 = arith.constant 40 : i32
        %mul3A_119 = arith.muli %sub3A_117, %mul3A_118 : i32
        %add3A_120 = arith.addi %mul3A_6, %mul3A_119 : i32
        %dma_wait3A_121 = arith.constant 0 : i32
        %dma_wait3A_122 = tpu.memref_slice %arg7[%add3A_120, %dma_wait3A_121] : memref<51200x1024xf32, #tpu.memory_space<hbm>> -> memref<40x1024xf32, #tpu.memory_space<hbm>>
        %dma_wait3A_123 = arith.constant 0 : i32
        %dma_wait3A_124 = tpu.memref_slice %arg7[%add3A_120, %dma_wait3A_123] : memref<51200x1024xf32, #tpu.memory_space<hbm>> -> memref<40x1024xf32, #tpu.memory_space<hbm>>
        tpu.wait_dma2 semaphore(%arg19 : memref<!tpu.dma_semaphore, #tpu.memory_space<semaphore_mem>>) src(%arg14 : memref<40x1024xf32, #tpu.memory_space<vmem>>) dst(%dma_wait3A_124 : memref<40x1024xf32, #tpu.memory_space<hbm>>)
      } else {
      }
      %add3A_65 = arith.constant 1 : i32
      %add3A_66 = arith.addi %add3A_62, %add3A_65 : i32
      %mul3A_67 = arith.constant 40 : i32
      %mul3A_68 = arith.muli %add3A_66, %mul3A_67 : i32
      %dma_start3A_69 = tpu.memref_slice %arg9[%mul3A_68] : memref<1600xi32, #tpu.memory_space<vmem>> -> memref<40xi32, #tpu.memory_space<vmem>>
      %dma_start3A_70 = arith.constant 0 : i32
      %dma_start3A_71 = arith.constant 0 : i32
      %dma_start3A_72 = tpu.memref_slice %arg2[%dma_start3A_70, %dma_start3A_71] : memref<1000x1024xf32, #tpu.memory_space<hbm>> -> memref<1000x1024xf32, #tpu.memory_space<hbm>>
      tpu.enqueue_indirect_dma source(%dma_start3A_72 : memref<1000x1024xf32, #tpu.memory_space<hbm>>) target(%arg14 : memref<40x1024xf32, #tpu.memory_space<vmem>>) offsets(%dma_start3A_69 : memref<40xi32, #tpu.memory_space<vmem>>) semaphore(%arg17 : memref<!tpu.dma_semaphore, #tpu.memory_space<semaphore_mem>>)
      %mul3A_73 = arith.constant 40 : i32
      %mul3A_74 = arith.muli %add3A_62, %mul3A_73 : i32
      %dma_wait3A_75 = tpu.memref_slice %arg9[%mul3A_74] : memref<1600xi32, #tpu.memory_space<vmem>> -> memref<40xi32, #tpu.memory_space<vmem>>
      %dma_wait3A_76 = arith.constant 0 : i32
      %dma_wait3A_77 = arith.constant 0 : i32
      %dma_wait3A_78 = tpu.memref_slice %arg2[%dma_wait3A_76, %dma_wait3A_77] : memref<1000x1024xf32, #tpu.memory_space<hbm>> -> memref<1000x1024xf32, #tpu.memory_space<hbm>>
      tpu.wait_indirect_dma semaphore(%arg16 : memref<!tpu.dma_semaphore, #tpu.memory_space<semaphore_mem>>) src(%dma_wait3A_78 : memref<1000x1024xf32, #tpu.memory_space<hbm>>) dst(%arg13 : memref<40x1024xf32, #tpu.memory_space<vmem>>)
      %mul3A_79 = arith.constant 40 : i32
      %mul3A_80 = arith.muli %add3A_62, %mul3A_79 : i32
      %add3A_81 = arith.addi %mul3A_6, %mul3A_80 : i32
      %dma_start3A_82 = arith.constant 0 : i32
      %dma_start3A_83 = tpu.memref_slice %arg7[%add3A_81, %dma_start3A_82] : memref<51200x1024xf32, #tpu.memory_space<hbm>> -> memref<40x1024xf32, #tpu.memory_space<hbm>>
      %dma_start3A_84 = arith.constant 0 : i32
      %dma_start3A_85 = tpu.memref_slice %arg7[%add3A_81, %dma_start3A_84] : memref<51200x1024xf32, #tpu.memory_space<hbm>> -> memref<40x1024xf32, #tpu.memory_space<hbm>>
      tpu.enqueue_dma source(%arg13 : memref<40x1024xf32, #tpu.memory_space<vmem>>) target(%dma_start3A_85 : memref<40x1024xf32, #tpu.memory_space<hbm>>) target_semaphore(%arg18 : memref<!tpu.dma_semaphore, #tpu.memory_space<semaphore_mem>>)
      %mul3A_86 = arith.constant 2 : i32
      %mul3A_87 = arith.muli %mul3A_86, %scan3A_57 : i32
      %add3A_88 = arith.constant 1 : i32
      %add3A_89 = arith.addi %mul3A_87, %add3A_88 : i32
      %sub3A = arith.constant 1 : i32
      %sub3A_90 = arith.subi %add3A_89, %sub3A : i32
      %mul3A_91 = arith.constant 40 : i32
      %mul3A_92 = arith.muli %sub3A_90, %mul3A_91 : i32
      %add3A_93 = arith.addi %mul3A_6, %mul3A_92 : i32
      %dma_wait3A_94 = arith.constant 0 : i32
      %dma_wait3A_95 = tpu.memref_slice %arg7[%add3A_93, %dma_wait3A_94] : memref<51200x1024xf32, #tpu.memory_space<hbm>> -> memref<40x1024xf32, #tpu.memory_space<hbm>>
      %dma_wait3A_96 = arith.constant 0 : i32
      %dma_wait3A_97 = tpu.memref_slice %arg7[%add3A_93, %dma_wait3A_96] : memref<51200x1024xf32, #tpu.memory_space<hbm>> -> memref<40x1024xf32, #tpu.memory_space<hbm>>
      tpu.wait_dma2 semaphore(%arg18 : memref<!tpu.dma_semaphore, #tpu.memory_space<semaphore_mem>>) src(%arg13 : memref<40x1024xf32, #tpu.memory_space<vmem>>) dst(%dma_wait3A_97 : memref<40x1024xf32, #tpu.memory_space<hbm>>)
      %lt3A = arith.constant 19 : i32
      %lt3A_98 = arith.cmpi slt, %scan3A_57, %lt3A : i32
      %convert_element_type3A_99 = arith.extui %lt3A_98 : i1 to i32
      %cond3A_100 = arith.constant 0 : i32
      %cond3A_101 = arith.cmpi ne, %convert_element_type3A_99, %cond3A_100 : i32
      scf.if %cond3A_101 {
        %add3A_116 = arith.constant 1 : i32
        %add3A_117 = arith.addi %add3A_89, %add3A_116 : i32
        %mul3A_118 = arith.constant 40 : i32
        %mul3A_119 = arith.muli %add3A_117, %mul3A_118 : i32
        %dma_start3A_120 = tpu.memref_slice %arg9[%mul3A_119] : memref<1600xi32, #tpu.memory_space<vmem>> -> memref<40xi32, #tpu.memory_space<vmem>>
        %dma_start3A_121 = arith.constant 0 : i32
        %dma_start3A_122 = arith.constant 0 : i32
        %dma_start3A_123 = tpu.memref_slice %arg2[%dma_start3A_121, %dma_start3A_122] : memref<1000x1024xf32, #tpu.memory_space<hbm>> -> memref<1000x1024xf32, #tpu.memory_space<hbm>>
        tpu.enqueue_indirect_dma source(%dma_start3A_123 : memref<1000x1024xf32, #tpu.memory_space<hbm>>) target(%arg13 : memref<40x1024xf32, #tpu.memory_space<vmem>>) offsets(%dma_start3A_120 : memref<40xi32, #tpu.memory_space<vmem>>) semaphore(%arg16 : memref<!tpu.dma_semaphore, #tpu.memory_space<semaphore_mem>>)
      } else {
      }
      %mul3A_102 = arith.constant 40 : i32
      %mul3A_103 = arith.muli %add3A_89, %mul3A_102 : i32
      %dma_wait3A_104 = tpu.memref_slice %arg9[%mul3A_103] : memref<1600xi32, #tpu.memory_space<vmem>> -> memref<40xi32, #tpu.memory_space<vmem>>
      %dma_wait3A_105 = arith.constant 0 : i32
      %dma_wait3A_106 = arith.constant 0 : i32
      %dma_wait3A_107 = tpu.memref_slice %arg2[%dma_wait3A_105, %dma_wait3A_106] : memref<1000x1024xf32, #tpu.memory_space<hbm>> -> memref<1000x1024xf32, #tpu.memory_space<hbm>>
      tpu.wait_indirect_dma semaphore(%arg17 : memref<!tpu.dma_semaphore, #tpu.memory_space<semaphore_mem>>) src(%dma_wait3A_107 : memref<1000x1024xf32, #tpu.memory_space<hbm>>) dst(%arg14 : memref<40x1024xf32, #tpu.memory_space<vmem>>)
      %mul3A_108 = arith.constant 40 : i32
      %mul3A_109 = arith.muli %add3A_89, %mul3A_108 : i32
      %add3A_110 = arith.addi %mul3A_6, %mul3A_109 : i32
      %dma_start3A_111 = arith.constant 0 : i32
      %dma_start3A_112 = tpu.memref_slice %arg7[%add3A_110, %dma_start3A_111] : memref<51200x1024xf32, #tpu.memory_space<hbm>> -> memref<40x1024xf32, #tpu.memory_space<hbm>>
      %dma_start3A_113 = arith.constant 0 : i32
      %dma_start3A_114 = tpu.memref_slice %arg7[%add3A_110, %dma_start3A_113] : memref<51200x1024xf32, #tpu.memory_space<hbm>> -> memref<40x1024xf32, #tpu.memory_space<hbm>>
      tpu.enqueue_dma source(%arg14 : memref<40x1024xf32, #tpu.memory_space<vmem>>) target(%dma_start3A_114 : memref<40x1024xf32, #tpu.memory_space<hbm>>) target_semaphore(%arg19 : memref<!tpu.dma_semaphore, #tpu.memory_space<semaphore_mem>>)
      %scan3A_115 = arith.constant 0 : i32
      scf.yield %scan3A_115 : i32
    }
    %scan3A_30 = arith.constant 20 : i32
    %scan3A_31 = arith.constant 0 : i32
    %scan3A_32 = arith.constant 0 : i32
    %scan3A_33 = arith.constant 20 : i32
    %scan3A_34 = arith.addi %scan3A_32, %scan3A_33 : i32
    %scan3A_35 = arith.constant 1 : i32
    %scan3A_36 = scf.for %scan3A_57 = %scan3A_32 to %scan3A_34 step %scan3A_35 iter_args(%scan3A_58 = %scan3A_31) -> (i32)  : i32 {
      %mul3A_59 = arith.constant 80 : i32
      %mul3A_60 = arith.muli %scan3A_57, %mul3A_59 : i32
      %mul3A_61 = arith.constant 80 : i32
      %mul3A_62 = arith.muli %scan3A_57, %mul3A_61 : i32
      %dma_wait3A_63 = tpu.memref_slice %arg12[%mul3A_62] : memref<1616xf32, #tpu.memory_space<vmem>> -> memref<80xf32, #tpu.memory_space<vmem>>
      %dma_wait3A_64 = tpu.memref_slice %arg10[%mul3A_60] : memref<1600xi32, #tpu.memory_space<vmem>> -> memref<80xi32, #tpu.memory_space<vmem>>
      %dma_wait3A_65 = arith.constant 0 : i32
      %dma_wait3A_66 = tpu.memref_slice %arg3[%dma_wait3A_65] : memref<1000000xf32, #tpu.memory_space<hbm>> -> memref<1000000xf32, #tpu.memory_space<hbm>>
      tpu.wait_indirect_dma semaphore(%arg20 : memref<!tpu.dma_semaphore, #tpu.memory_space<semaphore_mem>>) src(%dma_wait3A_66 : memref<1000000xf32, #tpu.memory_space<hbm>>) dst(%dma_wait3A_63 : memref<80xf32, #tpu.memory_space<vmem>>)
      %scan3A_67 = arith.constant 0 : i32
      scf.yield %scan3A_67 : i32
    }
    %scan3A_37 = arith.constant 20 : i32
    %broadcast_in_dim3A = arith.constant 0.000000e+00 : f32
    %broadcast_in_dim3A_38 = vector.broadcast %broadcast_in_dim3A : f32 to vector<16xf32>
    %scan3A_39 = arith.constant 0 : i32
    %scan3A_40 = arith.constant 100 : i32
    %scan3A_41 = arith.addi %scan3A_39, %scan3A_40 : i32
    %scan3A_42 = arith.constant 1 : i32
    %scan3A_43 = scf.for %scan3A_57 = %scan3A_39 to %scan3A_41 step %scan3A_42 iter_args(%scan3A_58 = %broadcast_in_dim3A_38) -> (vector<16xf32>)  : i32 {
      %mul3A_59 = arith.constant 16 : i32
      %mul3A_60 = arith.muli %scan3A_57, %mul3A_59 : i32
      %get3A = arith.index_cast %mul3A_60 : i32 to index
      %get3A_61 = tpu.vector_load %arg9[%get3A] {strides = array<i32>} : memref<1600xi32, #tpu.memory_space<vmem>>, vector<16xi32>,
      %get3A_62 = vector.shape_cast %get3A_61 : vector<16xi32> to vector<16xi32>
      %slice3A = vector.extract_strided_slice %get3A_62 {offsets = [0], sizes = [1], strides = [1]} : vector<16xi32> to vector<1xi32>
      %squeeze3A = vector.extract %slice3A[0] : i32 from vector<1xi32>
      %get3A_63 = arith.index_cast %squeeze3A : i32 to index
      %get3A_64 = tpu.vector_load %arg11[%get3A_63] {strides = array<i32>} : memref<1024xf32, #tpu.memory_space<vmem>>, vector<16xf32>,
      %get3A_65 = vector.shape_cast %get3A_64 : vector<16xf32> to vector<16xf32>
      %add3A_66 = arith.constant 0 : i32
      %add3A_67 = arith.addi %mul3A_60, %add3A_66 : i32
      %get3A_68 = arith.index_cast %add3A_67 : i32 to index
      %get3A_69 = tpu.vector_load %arg12[%get3A_68] {strides = array<i32>} : memref<1616xf32, #tpu.memory_space<vmem>>, vector<16xf32>,
      %get3A_70 = vector.shape_cast %get3A_69 : vector<16xf32> to vector<16xf32>
      %sub3A = arith.subf %get3A_65, %get3A_70 : vector<16xf32>
      %add3A_71 = arith.addf %scan3A_58, %sub3A : vector<16xf32>
      %slice3A_72 = vector.extract_strided_slice %get3A_62 {offsets = [1], sizes = [1], strides = [1]} : vector<16xi32> to vector<1xi32>
      %squeeze3A_73 = vector.extract %slice3A_72[0] : i32 from vector<1xi32>
      %get3A_74 = arith.index_cast %squeeze3A_73 : i32 to index
      %get3A_75 = tpu.vector_load %arg11[%get3A_74] {strides = array<i32>} : memref<1024xf32, #tpu.memory_space<vmem>>, vector<16xf32>,
      %get3A_76 = vector.shape_cast %get3A_75 : vector<16xf32> to vector<16xf32>
      %add3A_77 = arith.constant 1 : i32
      %add3A_78 = arith.addi %mul3A_60, %add3A_77 : i32
      %get3A_79 = arith.index_cast %add3A_78 : i32 to index
      %get3A_80 = tpu.vector_load %arg12[%get3A_79] {strides = array<i32>} : memref<1616xf32, #tpu.memory_space<vmem>>, vector<16xf32>,
      %get3A_81 = vector.shape_cast %get3A_80 : vector<16xf32> to vector<16xf32>
      %sub3A_82 = arith.subf %get3A_76, %get3A_81 : vector<16xf32>
      %add3A_83 = arith.addf %add3A_71, %sub3A_82 : vector<16xf32>
      %slice3A_84 = vector.extract_strided_slice %get3A_62 {offsets = [2], sizes = [1], strides = [1]} : vector<16xi32> to vector<1xi32>
      %squeeze3A_85 = vector.extract %slice3A_84[0] : i32 from vector<1xi32>
      %get3A_86 = arith.index_cast %squeeze3A_85 : i32 to index
      %get3A_87 = tpu.vector_load %arg11[%get3A_86] {strides = array<i32>} : memref<1024xf32, #tpu.memory_space<vmem>>, vector<16xf32>,
      %get3A_88 = vector.shape_cast %get3A_87 : vector<16xf32> to vector<16xf32>
      %add3A_89 = arith.constant 2 : i32
      %add3A_90 = arith.addi %mul3A_60, %add3A_89 : i32
      %get3A_91 = arith.index_cast %add3A_90 : i32 to index
      %get3A_92 = tpu.vector_load %arg12[%get3A_91] {strides = array<i32>} : memref<1616xf32, #tpu.memory_space<vmem>>, vector<16xf32>,
      %get3A_93 = vector.shape_cast %get3A_92 : vector<16xf32> to vector<16xf32>
      %sub3A_94 = arith.subf %get3A_88, %get3A_93 : vector<16xf32>
      %add3A_95 = arith.addf %add3A_83, %sub3A_94 : vector<16xf32>
      %slice3A_96 = vector.extract_strided_slice %get3A_62 {offsets = [3], sizes = [1], strides = [1]} : vector<16xi32> to vector<1xi32>
      %squeeze3A_97 = vector.extract %slice3A_96[0] : i32 from vector<1xi32>
      %get3A_98 = arith.index_cast %squeeze3A_97 : i32 to index
      %get3A_99 = tpu.vector_load %arg11[%get3A_98] {strides = array<i32>} : memref<1024xf32, #tpu.memory_space<vmem>>, vector<16xf32>,
      %get3A_100 = vector.shape_cast %get3A_99 : vector<16xf32> to vector<16xf32>
      %add3A_101 = arith.constant 3 : i32
      %add3A_102 = arith.addi %mul3A_60, %add3A_101 : i32
      %get3A_103 = arith.index_cast %add3A_102 : i32 to index
      %get3A_104 = tpu.vector_load %arg12[%get3A_103] {strides = array<i32>} : memref<1616xf32, #tpu.memory_space<vmem>>, vector<16xf32>,
      %get3A_105 = vector.shape_cast %get3A_104 : vector<16xf32> to vector<16xf32>
      %sub3A_106 = arith.subf %get3A_100, %get3A_105 : vector<16xf32>
      %add3A_107 = arith.addf %add3A_95, %sub3A_106 : vector<16xf32>
      %slice3A_108 = vector.extract_strided_slice %get3A_62 {offsets = [4], sizes = [1], strides = [1]} : vector<16xi32> to vector<1xi32>
      %squeeze3A_109 = vector.extract %slice3A_108[0] : i32 from vector<1xi32>
      %get3A_110 = arith.index_cast %squeeze3A_109 : i32 to index
      %get3A_111 = tpu.vector_load %arg11[%get3A_110] {strides = array<i32>} : memref<1024xf32, #tpu.memory_space<vmem>>, vector<16xf32>,
      %get3A_112 = vector.shape_cast %get3A_111 : vector<16xf32> to vector<16xf32>
      %add3A_113 = arith.constant 4 : i32
      %add3A_114 = arith.addi %mul3A_60, %add3A_113 : i32
      %get3A_115 = arith.index_cast %add3A_114 : i32 to index
      %get3A_116 = tpu.vector_load %arg12[%get3A_115] {strides = array<i32>} : memref<1616xf32, #tpu.memory_space<vmem>>, vector<16xf32>,
      %get3A_117 = vector.shape_cast %get3A_116 : vector<16xf32> to vector<16xf32>
      %sub3A_118 = arith.subf %get3A_112, %get3A_117 : vector<16xf32>
      %add3A_119 = arith.addf %add3A_107, %sub3A_118 : vector<16xf32>
      %slice3A_120 = vector.extract_strided_slice %get3A_62 {offsets = [5], sizes = [1], strides = [1]} : vector<16xi32> to vector<1xi32>
      %squeeze3A_121 = vector.extract %slice3A_120[0] : i32 from vector<1xi32>
      %get3A_122 = arith.index_cast %squeeze3A_121 : i32 to index
      %get3A_123 = tpu.vector_load %arg11[%get3A_122] {strides = array<i32>} : memref<1024xf32, #tpu.memory_space<vmem>>, vector<16xf32>,
      %get3A_124 = vector.shape_cast %get3A_123 : vector<16xf32> to vector<16xf32>
      %add3A_125 = arith.constant 5 : i32
      %add3A_126 = arith.addi %mul3A_60, %add3A_125 : i32
      %get3A_127 = arith.index_cast %add3A_126 : i32 to index
      %get3A_128 = tpu.vector_load %arg12[%get3A_127] {strides = array<i32>} : memref<1616xf32, #tpu.memory_space<vmem>>, vector<16xf32>,
      %get3A_129 = vector.shape_cast %get3A_128 : vector<16xf32> to vector<16xf32>
      %sub3A_130 = arith.subf %get3A_124, %get3A_129 : vector<16xf32>
      %add3A_131 = arith.addf %add3A_119, %sub3A_130 : vector<16xf32>
      %slice3A_132 = vector.extract_strided_slice %get3A_62 {offsets = [6], sizes = [1], strides = [1]} : vector<16xi32> to vector<1xi32>
      %squeeze3A_133 = vector.extract %slice3A_132[0] : i32 from vector<1xi32>
      %get3A_134 = arith.index_cast %squeeze3A_133 : i32 to index
      %get3A_135 = tpu.vector_load %arg11[%get3A_134] {strides = array<i32>} : memref<1024xf32, #tpu.memory_space<vmem>>, vector<16xf32>,
      %get3A_136 = vector.shape_cast %get3A_135 : vector<16xf32> to vector<16xf32>
      %add3A_137 = arith.constant 6 : i32
      %add3A_138 = arith.addi %mul3A_60, %add3A_137 : i32
      %get3A_139 = arith.index_cast %add3A_138 : i32 to index
      %get3A_140 = tpu.vector_load %arg12[%get3A_139] {strides = array<i32>} : memref<1616xf32, #tpu.memory_space<vmem>>, vector<16xf32>,
      %get3A_141 = vector.shape_cast %get3A_140 : vector<16xf32> to vector<16xf32>
      %sub3A_142 = arith.subf %get3A_136, %get3A_141 : vector<16xf32>
      %add3A_143 = arith.addf %add3A_131, %sub3A_142 : vector<16xf32>
      %slice3A_144 = vector.extract_strided_slice %get3A_62 {offsets = [7], sizes = [1], strides = [1]} : vector<16xi32> to vector<1xi32>
      %squeeze3A_145 = vector.extract %slice3A_144[0] : i32 from vector<1xi32>
      %get3A_146 = arith.index_cast %squeeze3A_145 : i32 to index
      %get3A_147 = tpu.vector_load %arg11[%get3A_146] {strides = array<i32>} : memref<1024xf32, #tpu.memory_space<vmem>>, vector<16xf32>,
      %get3A_148 = vector.shape_cast %get3A_147 : vector<16xf32> to vector<16xf32>
      %add3A_149 = arith.constant 7 : i32
      %add3A_150 = arith.addi %mul3A_60, %add3A_149 : i32
      %get3A_151 = arith.index_cast %add3A_150 : i32 to index
      %get3A_152 = tpu.vector_load %arg12[%get3A_151] {strides = array<i32>} : memref<1616xf32, #tpu.memory_space<vmem>>, vector<16xf32>,
      %get3A_153 = vector.shape_cast %get3A_152 : vector<16xf32> to vector<16xf32>
      %sub3A_154 = arith.subf %get3A_148, %get3A_153 : vector<16xf32>
      %add3A_155 = arith.addf %add3A_143, %sub3A_154 : vector<16xf32>
      %slice3A_156 = vector.extract_strided_slice %get3A_62 {offsets = [8], sizes = [1], strides = [1]} : vector<16xi32> to vector<1xi32>
      %squeeze3A_157 = vector.extract %slice3A_156[0] : i32 from vector<1xi32>
      %get3A_158 = arith.index_cast %squeeze3A_157 : i32 to index
      %get3A_159 = tpu.vector_load %arg11[%get3A_158] {strides = array<i32>} : memref<1024xf32, #tpu.memory_space<vmem>>, vector<16xf32>,
      %get3A_160 = vector.shape_cast %get3A_159 : vector<16xf32> to vector<16xf32>
      %add3A_161 = arith.constant 8 : i32
      %add3A_162 = arith.addi %mul3A_60, %add3A_161 : i32
      %get3A_163 = arith.index_cast %add3A_162 : i32 to index
      %get3A_164 = tpu.vector_load %arg12[%get3A_163] {strides = array<i32>} : memref<1616xf32, #tpu.memory_space<vmem>>, vector<16xf32>,
      %get3A_165 = vector.shape_cast %get3A_164 : vector<16xf32> to vector<16xf32>
      %sub3A_166 = arith.subf %get3A_160, %get3A_165 : vector<16xf32>
      %add3A_167 = arith.addf %add3A_155, %sub3A_166 : vector<16xf32>
      %slice3A_168 = vector.extract_strided_slice %get3A_62 {offsets = [9], sizes = [1], strides = [1]} : vector<16xi32> to vector<1xi32>
      %squeeze3A_169 = vector.extract %slice3A_168[0] : i32 from vector<1xi32>
      %get3A_170 = arith.index_cast %squeeze3A_169 : i32 to index
      %get3A_171 = tpu.vector_load %arg11[%get3A_170] {strides = array<i32>} : memref<1024xf32, #tpu.memory_space<vmem>>, vector<16xf32>,
      %get3A_172 = vector.shape_cast %get3A_171 : vector<16xf32> to vector<16xf32>
      %add3A_173 = arith.constant 9 : i32
      %add3A_174 = arith.addi %mul3A_60, %add3A_173 : i32
      %get3A_175 = arith.index_cast %add3A_174 : i32 to index
      %get3A_176 = tpu.vector_load %arg12[%get3A_175] {strides = array<i32>} : memref<1616xf32, #tpu.memory_space<vmem>>, vector<16xf32>,
      %get3A_177 = vector.shape_cast %get3A_176 : vector<16xf32> to vector<16xf32>
      %sub3A_178 = arith.subf %get3A_172, %get3A_177 : vector<16xf32>
      %add3A_179 = arith.addf %add3A_167, %sub3A_178 : vector<16xf32>
      %slice3A_180 = vector.extract_strided_slice %get3A_62 {offsets = [10], sizes = [1], strides = [1]} : vector<16xi32> to vector<1xi32>
      %squeeze3A_181 = vector.extract %slice3A_180[0] : i32 from vector<1xi32>
      %get3A_182 = arith.index_cast %squeeze3A_181 : i32 to index
      %get3A_183 = tpu.vector_load %arg11[%get3A_182] {strides = array<i32>} : memref<1024xf32, #tpu.memory_space<vmem>>, vector<16xf32>,
      %get3A_184 = vector.shape_cast %get3A_183 : vector<16xf32> to vector<16xf32>
      %add3A_185 = arith.constant 10 : i32
      %add3A_186 = arith.addi %mul3A_60, %add3A_185 : i32
      %get3A_187 = arith.index_cast %add3A_186 : i32 to index
      %get3A_188 = tpu.vector_load %arg12[%get3A_187] {strides = array<i32>} : memref<1616xf32, #tpu.memory_space<vmem>>, vector<16xf32>,
      %get3A_189 = vector.shape_cast %get3A_188 : vector<16xf32> to vector<16xf32>
      %sub3A_190 = arith.subf %get3A_184, %get3A_189 : vector<16xf32>
      %add3A_191 = arith.addf %add3A_179, %sub3A_190 : vector<16xf32>
      %slice3A_192 = vector.extract_strided_slice %get3A_62 {offsets = [11], sizes = [1], strides = [1]} : vector<16xi32> to vector<1xi32>
      %squeeze3A_193 = vector.extract %slice3A_192[0] : i32 from vector<1xi32>
      %get3A_194 = arith.index_cast %squeeze3A_193 : i32 to index
      %get3A_195 = tpu.vector_load %arg11[%get3A_194] {strides = array<i32>} : memref<1024xf32, #tpu.memory_space<vmem>>, vector<16xf32>,
      %get3A_196 = vector.shape_cast %get3A_195 : vector<16xf32> to vector<16xf32>
      %add3A_197 = arith.constant 11 : i32
      %add3A_198 = arith.addi %mul3A_60, %add3A_197 : i32
      %get3A_199 = arith.index_cast %add3A_198 : i32 to index
      %get3A_200 = tpu.vector_load %arg12[%get3A_199] {strides = array<i32>} : memref<1616xf32, #tpu.memory_space<vmem>>, vector<16xf32>,
      %get3A_201 = vector.shape_cast %get3A_200 : vector<16xf32> to vector<16xf32>
      %sub3A_202 = arith.subf %get3A_196, %get3A_201 : vector<16xf32>
      %add3A_203 = arith.addf %add3A_191, %sub3A_202 : vector<16xf32>
      %slice3A_204 = vector.extract_strided_slice %get3A_62 {offsets = [12], sizes = [1], strides = [1]} : vector<16xi32> to vector<1xi32>
      %squeeze3A_205 = vector.extract %slice3A_204[0] : i32 from vector<1xi32>
      %get3A_206 = arith.index_cast %squeeze3A_205 : i32 to index
      %get3A_207 = tpu.vector_load %arg11[%get3A_206] {strides = array<i32>} : memref<1024xf32, #tpu.memory_space<vmem>>, vector<16xf32>,
      %get3A_208 = vector.shape_cast %get3A_207 : vector<16xf32> to vector<16xf32>
      %add3A_209 = arith.constant 12 : i32
      %add3A_210 = arith.addi %mul3A_60, %add3A_209 : i32
      %get3A_211 = arith.index_cast %add3A_210 : i32 to index
      %get3A_212 = tpu.vector_load %arg12[%get3A_211] {strides = array<i32>} : memref<1616xf32, #tpu.memory_space<vmem>>, vector<16xf32>,
      %get3A_213 = vector.shape_cast %get3A_212 : vector<16xf32> to vector<16xf32>
      %sub3A_214 = arith.subf %get3A_208, %get3A_213 : vector<16xf32>
      %add3A_215 = arith.addf %add3A_203, %sub3A_214 : vector<16xf32>
      %slice3A_216 = vector.extract_strided_slice %get3A_62 {offsets = [13], sizes = [1], strides = [1]} : vector<16xi32> to vector<1xi32>
      %squeeze3A_217 = vector.extract %slice3A_216[0] : i32 from vector<1xi32>
      %get3A_218 = arith.index_cast %squeeze3A_217 : i32 to index
      %get3A_219 = tpu.vector_load %arg11[%get3A_218] {strides = array<i32>} : memref<1024xf32, #tpu.memory_space<vmem>>, vector<16xf32>,
      %get3A_220 = vector.shape_cast %get3A_219 : vector<16xf32> to vector<16xf32>
      %add3A_221 = arith.constant 13 : i32
      %add3A_222 = arith.addi %mul3A_60, %add3A_221 : i32
      %get3A_223 = arith.index_cast %add3A_222 : i32 to index
      %get3A_224 = tpu.vector_load %arg12[%get3A_223] {strides = array<i32>} : memref<1616xf32, #tpu.memory_space<vmem>>, vector<16xf32>,
      %get3A_225 = vector.shape_cast %get3A_224 : vector<16xf32> to vector<16xf32>
      %sub3A_226 = arith.subf %get3A_220, %get3A_225 : vector<16xf32>
      %add3A_227 = arith.addf %add3A_215, %sub3A_226 : vector<16xf32>
      %slice3A_228 = vector.extract_strided_slice %get3A_62 {offsets = [14], sizes = [1], strides = [1]} : vector<16xi32> to vector<1xi32>
      %squeeze3A_229 = vector.extract %slice3A_228[0] : i32 from vector<1xi32>
      %get3A_230 = arith.index_cast %squeeze3A_229 : i32 to index
      %get3A_231 = tpu.vector_load %arg11[%get3A_230] {strides = array<i32>} : memref<1024xf32, #tpu.memory_space<vmem>>, vector<16xf32>,
      %get3A_232 = vector.shape_cast %get3A_231 : vector<16xf32> to vector<16xf32>
      %add3A_233 = arith.constant 14 : i32
      %add3A_234 = arith.addi %mul3A_60, %add3A_233 : i32
      %get3A_235 = arith.index_cast %add3A_234 : i32 to index
      %get3A_236 = tpu.vector_load %arg12[%get3A_235] {strides = array<i32>} : memref<1616xf32, #tpu.memory_space<vmem>>, vector<16xf32>,
      %get3A_237 = vector.shape_cast %get3A_236 : vector<16xf32> to vector<16xf32>
      %sub3A_238 = arith.subf %get3A_232, %get3A_237 : vector<16xf32>
      %add3A_239 = arith.addf %add3A_227, %sub3A_238 : vector<16xf32>
      %slice3A_240 = vector.extract_strided_slice %get3A_62 {offsets = [15], sizes = [1], strides = [1]} : vector<16xi32> to vector<1xi32>
      %squeeze3A_241 = vector.extract %slice3A_240[0] : i32 from vector<1xi32>
      %get3A_242 = arith.index_cast %squeeze3A_241 : i32 to index
      %get3A_243 = tpu.vector_load %arg11[%get3A_242] {strides = array<i32>} : memref<1024xf32, #tpu.memory_space<vmem>>, vector<16xf32>,
      %get3A_244 = vector.shape_cast %get3A_243 : vector<16xf32> to vector<16xf32>
      %add3A_245 = arith.constant 15 : i32
      %add3A_246 = arith.addi %mul3A_60, %add3A_245 : i32
      %get3A_247 = arith.index_cast %add3A_246 : i32 to index
      %get3A_248 = tpu.vector_load %arg12[%get3A_247] {strides = array<i32>} : memref<1616xf32, #tpu.memory_space<vmem>>, vector<16xf32>,
      %get3A_249 = vector.shape_cast %get3A_248 : vector<16xf32> to vector<16xf32>
      %sub3A_250 = arith.subf %get3A_244, %get3A_249 : vector<16xf32>
      %add3A_251 = arith.addf %add3A_239, %sub3A_250 : vector<16xf32>
      scf.yield %add3A_251 : vector<16xf32>
    }
    %scan3A_44 = arith.constant 100 : i32
    %add3A_45 = arith.constant 1560 : i32
    %add3A_46 = arith.addi %mul3A_6, %add3A_45 : i32
    %dma_wait3A = arith.constant 0 : i32
    %dma_wait3A_47 = tpu.memref_slice %arg7[%add3A_46, %dma_wait3A] : memref<51200x1024xf32, #tpu.memory_space<hbm>> -> memref<40x1024xf32, #tpu.memory_space<hbm>>
    %dma_wait3A_48 = arith.constant 0 : i32
    %dma_wait3A_49 = tpu.memref_slice %arg7[%add3A_46, %dma_wait3A_48] : memref<51200x1024xf32, #tpu.memory_space<hbm>> -> memref<40x1024xf32, #tpu.memory_space<hbm>>
    tpu.wait_dma2 semaphore(%arg19 : memref<!tpu.dma_semaphore, #tpu.memory_space<semaphore_mem>>) src(%arg14 : memref<40x1024xf32, #tpu.memory_space<vmem>>) dst(%dma_wait3A_49 : memref<40x1024xf32, #tpu.memory_space<hbm>>)
    %iota3A = tpu.iota {dimensions = array<i32: 0>} : vector<16xi32>
    %eq3A = arith.constant 0 : i32
    %eq3A_50 = vector.broadcast %eq3A : i32 to vector<16xi32>
    %eq3A_51 = arith.cmpi eq, %iota3A, %eq3A_50 : vector<16xi32>
    %select_n3A = arith.select %eq3A_51, %scan3A_43, %broadcast_in_dim3A_38 : vector<16xi1>, vector<16xf32>
    %swap3A = arith.constant 0 : index
    %swap3A_52 = tpu.vector_load %arg15[%swap3A] {strides = array<i32>} : memref<16xf32, #tpu.memory_space<vmem>>, vector<16xf32>,
    %swap3A_53 = vector.shape_cast %swap3A_52 : vector<16xf32> to vector<16xf32>
    %swap3A_54 = vector.shape_cast %select_n3A : vector<16xf32> to vector<16xf32>
    tpu.vector_store %arg15[%swap3A], %swap3A_54 {strides = array<i32>} : memref<16xf32, #tpu.memory_space<vmem>>, vector<16xf32>,
    %mul3A_55 = arith.constant 16 : i32
    %mul3A_56 = arith.muli %add3A, %mul3A_55 : i32
    "tpu.region"() ({
      %run_scoped3A = tpu.sem_alloc : memref<!tpu.dma_semaphore, #tpu.memory_space<semaphore_mem>>
      %dma_start3A_57 = tpu.memref_slice %arg8[%mul3A_56] : memref<512xf32, #tpu.memory_space<hbm>> -> memref<16xf32, #tpu.memory_space<hbm>>
      %dma_start3A_58 = tpu.memref_slice %arg8[%mul3A_56] : memref<512xf32, #tpu.memory_space<hbm>> -> memref<16xf32, #tpu.memory_space<hbm>>
      tpu.enqueue_dma source(%arg15 : memref<16xf32, #tpu.memory_space<vmem>>) target(%dma_start3A_58 : memref<16xf32, #tpu.memory_space<hbm>>) target_semaphore(%run_scoped3A : memref<!tpu.dma_semaphore, #tpu.memory_space<semaphore_mem>>)
      %dma_wait3A_59 = tpu.memref_slice %arg8[%mul3A_56] : memref<512xf32, #tpu.memory_space<hbm>> -> memref<16xf32, #tpu.memory_space<hbm>>
      %dma_wait3A_60 = tpu.memref_slice %arg8[%mul3A_56] : memref<512xf32, #tpu.memory_space<hbm>> -> memref<16xf32, #tpu.memory_space<hbm>>
      tpu.wait_dma2 semaphore(%run_scoped3A : memref<!tpu.dma_semaphore, #tpu.memory_space<semaphore_mem>>) src(%arg15 : memref<16xf32, #tpu.memory_space<vmem>>) dst(%dma_wait3A_60 : memref<16xf32, #tpu.memory_space<hbm>>)
      tpu.yield
    }) : () -> ()
    return
  }
}

module attributes {stable_mosaic.version = 14 : i64} {
  func.func @_lse_body(%arg0: memref<1000x1000xf32, #tpu.memory_space<vmem>>, %arg1: memref<1024xf32, #tpu.memory_space<vmem>>) attributes {dimension_semantics = [], scalar_prefetch = 0 : i64, scratch_operands = 0 : i64, tpu.core_type = #tpu.core_type<tc>} {
    %get3A = arith.constant 0 : index
    %get3A_0 = arith.constant 0 : index
    %get3A_1 = vector.load %arg0[%get3A, %get3A_0] : memref<1000x1000xf32, #tpu.memory_space<vmem>>, vector<1000x1000xf32>
    %reduce_max3A = arith.constant dense<0xFF800000> : vector<1000xf32>
    %reduce_max3A_2 = vector.multi_reduction <maximumf>, %get3A_1, %reduce_max3A [1] : vector<1000x1000xf32> to vector<1000xf32>
    %broadcast_in_dim3A = vector.shape_cast %reduce_max3A_2 : vector<1000xf32> to vector<1000x1xf32>
    %sub3A = vector.broadcast %broadcast_in_dim3A : vector<1000x1xf32> to vector<1000x1000xf32>
    %sub3A_3 = arith.subf %get3A_1, %sub3A : vector<1000x1000xf32>
    %exp3A = math.exp %sub3A_3 : vector<1000x1000xf32>
    %reduce_sum3A = arith.constant dense<0.000000e+00> : vector<1000xf32>
    %reduce_sum3A_4 = vector.multi_reduction <add>, %exp3A, %reduce_sum3A [1] : vector<1000x1000xf32> to vector<1000xf32>
    %log3A = math.log %reduce_sum3A_4 : vector<1000xf32>
    %add3A = arith.addf %log3A, %reduce_max3A_2 : vector<1000xf32>
    %jit3A = arith.constant 0 : i32
    %convert_element_type3A = arith.sitofp %jit3A : i32 to f32
    %pad3A = vector.broadcast %convert_element_type3A : f32 to vector<24xf32>
    %pad3A_5 = tpu.concatenate %add3A, %pad3A in 0 : vector<1000xf32>, vector<24xf32> -> vector<1024xf32>
    %swap3A = arith.constant 0 : index
    %swap3A_6 = vector.load %arg1[%swap3A] : memref<1024xf32, #tpu.memory_space<vmem>>, vector<1024xf32>
    tpu.vector_store %arg1[%swap3A], %pad3A_5 {strides = array<i32>} : memref<1024xf32, #tpu.memory_space<vmem>>, vector<1024xf32>,
    return
  }
}

</mosaic_0001>

<sc_bundles>
// kernel: sc_gather_s0.3.cloned.1.call-start
scs
__scs_entry_jumppad:
0x0: {  	(pc) =	sbr.rel $0x88, $3  }
0x1: {  	(tag) =	ssettag $0x0;
	lr =	simm.s32 $0x1  }
0x2: {  	[smem:$0x3F9E] =	sst lr;
	_ =	strace $0xD0000000  }
0x3: {  	_ = 	snop  }
0x4: {  	_ = 	snop  }
0x5: {  	_ = 	snop  }
0x6: {  	_ = 	snop  }
0x7: {  	_ = 	snop  }
__scs_overlays_trampoline_lowered:
0x8: {  	[smem:$0x3FAD] =	sst s0  }
0x9: {  	[smem:$0x3FAE] =	sst s1  }
0xa: {  	[smem:$0x3FAF] =	sst s2  }
0xb: {  	[smem:$0x3FB0] =	sst s3  }
0xc: {  	[smem:$0x3FB1] =	sst s4  }
0xd: {  	[smem:$0x3FB2] =	sst s5  }
0xe: {  	[smem:$0x3FB3] =	sst s6  }
0xf: {  	[smem:$0x3FB4] =	sst s7  }
0x10: {  	[smem:$0x3FB5] =	sst s8  }
0x11: {  	[smem:$0x3FB6] =	sst s9;
	s0 =	simm.s32 @!p0 $0x0  }
0x12: {  	s1 =	sld [smem:$0x3F9C];
	s0 =	simm.s32 @p0 $0x1  }
0x13: {  	[smem:$0x3FB7] =	sst s0;
	s0 =	simm.s32 @!p1 $0x0  }
0x14: {  	s2 =	sld [smem:$0x3F9B];
	s0 =	simm.s32 @p1 $0x1  }
0x15: {  	[smem:$0x3FB8] =	sst s0;
	s0 =	simm.s32 @!p2 $0x0  }
0x16: {  	s3 =	sld [smem:$0x3FDB];
	s0 =	simm.s32 @p2 $0x1  }
0x17: {  	s4 =	simm.s32 $0x1BF5;
	[smem:$0x3FBA] =	sst s0  }
0x18: {  	s0 =	sld [smem:$0x3F9D];
	_ =	swait.ge [sflag:s4], $0x0  }
0x19: {  	s7 =	sld [smem:$0x3F9E]  }
0x1a: {  	s8 =	sadd.s32 $0xFFFFE003, lr  }
0x1b: {  	s9 =	sadd.s32 $0xFFFFFEF7, lr;
	s5 =	simm.s32 $0xFFFFFFFF;
	p2 =	slt.u32 s8, $0xFFFFF086  }
0x1c: {  	p1 =	slt.u32 s9, $0xF7A;
	s5 =	simm.s32 @!p2 $0x0  }
0x1d: {  	s5 =	simm.s32 @p1 $0x1;
	p0 =	seq.s32 s7, s2  }
0x1e: {  	s7 =	smul.u32 @!p0 $0xF7A, s2;
	p2 =	seq.s32 @!p0 s5, $0x0  }
0x1f: {  	s9 =	smul.u32 $0xF7A, s1;
	s8 =	simm.s32 @!p0 $0x1BF5;
	p2 =	por !p2, p0  }
0x20: {  	[sflag:s8] =	ssyncset.s32 @!p0 $0xFFFFF086;
	s6 =	sadd.s32 @!p0 s3, s7;
	s7 =	simm.s32 @!p0 $0x108  }
0x21: {  	s3 =	sadd.s32 s3, s9;
	s6 =	sadd.s32 @!p0 $0x88, s6;
	s7 =	simm.s32 @p2 $0x1082  }
0x22: {  	[simem:s7], [sflag:s8] =	dma.local @!p0 [hbm:s6], $0xF7A  }
0x23: {  	s9 =	sor.u32 $0xD0000000, s2;
	s6 =	simm.s32 $0x108;
	_ =	swait.ge @!p0 [sflag:s8], $0x0  }
0x24: {  	s3 =	sadd.s32 $0x88, s3;
	s6 =	simm.s32 @!p1 $0x1082;
	[sflag:s4] =	ssyncset.s32 $0xFFFFF086  }
0x25: {  	[simem:s6], [sflag:s4] =	dma.local [hbm:s3], $0xF7A  }
0x26: {  	[smem:$0x3F9E] =	sst s1;
	(tag) =	ssettag s2;
	_ =	strace s9  }
0x27: {  	s1 =	sld [smem:$0x3FAE]  }
0x28: {  	s2 =	sld [smem:$0x3FAF]  }
0x29: {  	s4 =	sld [smem:$0x3FB1]  }
0x2a: {  	p0 =	seq.s32 s5, $0x0;
	s5 =	sld [smem:$0x3FB2]  }
0x2b: {  	s6 =	sld [smem:$0x3FB3]  }
0x2c: {  	s7 =	sld [smem:$0x3FB4]  }
0x2d: {  	s3 =	simm.s32 $0x108;
	s8 =	sld [smem:$0x3FB5]  }
0x2e: {  	s3 =	simm.s32 @!p0 $0x1082;
	s9 =	sld [smem:$0x3FB6]  }
0x2f: {  	lr =	sadd.s32 s0, s3;
	s0 =	sld [smem:$0x3FAD]  }
0x30: {  	s3 =	sld [smem:$0x3FB0]  }
0x31: {  	[smem:$0x3FB9] =	sst s10  }
0x32: {  	s10 =	sld [smem:$0x3FB7];
	_ =	sdelay $0x3  }
0x33: {  	p0 =	seq.s32 s10, $0x1;
	s10 =	sld [smem:$0x3FB9];
	_ =	sdelay $0x3  }
0x34: {  	[smem:$0x3FB9] =	sst s10  }
0x35: {  	s10 =	sld [smem:$0x3FB8];
	_ =	sdelay $0x3  }
0x36: {  	p1 =	seq.s32 s10, $0x1;
	s10 =	sld [smem:$0x3FB9];
	_ =	sdelay $0x3  }
0x37: {  	[smem:$0x3FB9] =	sst s10  }
0x38: {  	s10 =	sld [smem:$0x3FBA]  }
0x39: {  	_ = 	snop;
	(pc) =	sbr.ind lr, $3  }
0x3a: {  	_ = 	snop  }
0x3b: {  	_ = 	snop  }
0x3c: {  	p2 =	seq.s32 s10, $0x1;
	s10 =	sld [smem:$0x3FB9]  }
0x3d: {  	_ =	shalt  }
0x3e: {  	_ =	shalt  }
0x3f: {  	_ =	shalt  }
0x40: {  	_ =	shalt  }
0x41: {  	_ =	shalt  }
0x42: {  	_ =	shalt  }
0x43: {  	_ =	shalt  }
0x44: {  	_ =	shalt  }
0x45: {  	_ =	shalt  }
0x46: {  	_ =	shalt  }
0x47: {  	_ =	shalt  }
0x48: {  	_ =	shalt  }
0x49: {  	_ =	shalt  }
0x4a: {  	_ =	shalt  }
0x4b: {  	_ =	shalt  }
0x4c: {  	_ =	shalt  }
0x4d: {  	_ =	shalt  }
0x4e: {  	_ =	shalt  }
0x4f: {  	_ =	shalt  }
0x50: {  	_ =	shalt  }
0x51: {  	_ =	shalt  }
0x52: {  	_ =	shalt  }
0x53: {  	_ =	shalt  }
0x54: {  	_ =	shalt  }
0x55: {  	_ =	shalt  }
0x56: {  	_ =	shalt  }
0x57: {  	_ =	shalt  }
0x58: {  	_ =	shalt  }
0x59: {  	_ =	shalt  }
0x5a: {  	_ =	shalt  }
0x5b: {  	_ =	shalt  }
0x5c: {  	_ =	shalt  }
0x5d: {  	_ =	shalt  }
0x5e: {  	_ =	shalt  }
0x5f: {  	_ =	shalt  }
0x60: {  	_ =	shalt  }
0x61: {  	_ =	shalt  }
0x62: {  	_ =	shalt  }
0x63: {  	_ =	shalt  }
0x64: {  	_ =	shalt  }
0x65: {  	_ =	shalt  }
0x66: {  	_ =	shalt  }
0x67: {  	_ =	shalt  }
0x68: {  	_ =	shalt  }
0x69: {  	_ =	shalt  }
0x6a: {  	_ =	shalt  }
0x6b: {  	_ =	shalt  }
0x6c: {  	_ =	shalt  }
0x6d: {  	_ =	shalt  }
0x6e: {  	_ =	shalt  }
0x6f: {  	_ =	shalt  }
0x70: {  	_ =	shalt  }
0x71: {  	_ =	shalt  }
0x72: {  	_ =	shalt  }
0x73: {  	_ =	shalt  }
0x74: {  	_ =	shalt  }
0x75: {  	_ =	shalt  }
0x76: {  	_ =	shalt  }
0x77: {  	_ =	shalt  }
0x78: {  	_ =	shalt  }
0x79: {  	_ =	shalt  }
0x7a: {  	_ =	shalt  }
0x7b: {  	_ =	shalt  }
0x7c: {  	_ =	shalt  }
0x7d: {  	_ =	shalt  }
0x7e: {  	_ =	shalt  }
0x7f: {  	_ =	shalt  }
0x80: {  	_ =	shalt  }
0x81: {  	_ =	shalt  }
0x82: {  	_ =	shalt  }
0x83: {  	_ =	shalt  }
0x84: {  	_ =	shalt  }
0x85: {  	_ =	shalt  }
0x86: {  	_ =	shalt  }
0x87: {  	_ =	shalt  }
.Lfunc_end0:
.L_simem_size_0:
called_computation.1_lowered:
.L_overlay_start_0:
0x88: {  	s2 =	sld [smem:$0x3FD9]  }
0x89: {  	s3 =	sld [smem:$0x3FFE];
	_ =	sdelay $0x1  }
0x8a: {  	s1 =	srdreg.scid  }
0x8b: {  	s0 =	sand.u32 $0x1, s1  }
0x8c: {  	s14 =	sshll.u32 s0, $0xA;
	s2 =	sadd.s32 s3, s2  }
0x8d: {  	s2 =	sadd.s32 s2, s14  }
0x8e: {  	[smem:$0x3FC5] =	sst s2  }
0x8f: {  	_ = 	snop  }
0x90: {  	s2 =	sld [smem:$0x3FD0];
	_ =	sdelay $0x2  }
0x91: {  	s15 =	simm.s32 $0xA;
	s4 =	simm.s32 $0x10  }
0x92: {  	[smem:s4], [sflag:s15] =	dma.local [hbm:s2], $0x1  }
0x93: {  	_ =	swait.eq [sflag:s15], $0x1  }
0x94: {  	[sflag:s15] =	ssyncset.done $0x0  }
0x95: {  	[sflag:s15] =	ssyncadd.s32 $0xFFFFFFFF  }
0x96: {  	s16 =	sld [smem:$0x10];
	(tm) =	ssettm $0x1  }
0x97: {  	s17 =	sld [smem:$0x3FFB];
	_ =	sdelay $0x3  }
0x98: {  	_ =	strace s17  }
0x99: {  	s3 =	sld [smem:$0x3FFC];
	_ =	sdelay $0x3  }
0x9a: {  	_ =	strace s3  }
0x9b: {  	s3 =	sld [smem:$0x3FFD];
	_ =	sdelay $0x3  }
0x9c: {  	_ =	strace s3  }
0x9d: {  	_ =	strace $0x8FFFFFFF  }
0x9e: {  	s18 =	sld [smem:$0x3FDB];
	_ =	sdelay $0x1  }
0x9f: {  	s19 =	simm.s32 $_scs_section_size  }
0xa0: {  	s5 =	simm.s32 $_size__tile_overlayer_lowered;
	s6 =	simm.s32 $_tile_overlayer_lowered  }
0xa1: {  	s22 =	simm.s32 $0x1BFF;
	s21 =	sshll.u32 s6, $0x1;
	s3 =	sadd.s32 s19, s18  }
0xa2: {  	s7 =	simm.s32 $0x0;
	s20 =	sshll.u32 s5, $0x1;
	s5 =	sadd.s32 s21, s3  }
0xa3: {  	[timem:s7], [sflag:s22] =	dma.local [hbm:s5], s20  }
0xa4: {  	_ =	swait.ge [sflag:s22], s20  }
0xa5: {  	s4 =	ssub.s32 $0x0, s20;
	[sflag:s22] =	ssyncset.done $0x0  }
0xa6: {  	[sflag:s22] =	ssyncadd.s32 s4;
	_ =	sdelay $0x1  }
0xa7: {  	s23 =	simm.s32 $0x1B8B  }
0xa8: {  	_ =	swait.ge [sflag:s23], $0x1  }
0xa9: {  	[sflag:s23] =	ssyncset.done $0x0  }
0xaa: {  	s25 =	simm.s32 $0x1B8E;
	s24 =	sld [smem:$0x3FFE];
	[sflag:s23] =	ssyncadd.s32 $0xFFFFFFFF  }
0xab: {  	s26 =	simm.s32 $execute0_lowered;
	[smem:$0x3FD2] =	sst s25  }
0xac: {  	s5 =	sshll.u32 s26, $0x1;
	_ =	strace $0x80000046;
	[dreg:$0x1] =	wrdreg $0xFFFFFFFF  }
0xad: {  	s28 =	simm.s32 $_size_execute0_lowered;
	s3 =	sadd.s32 s3, s5;
	[dreg:$0x0] =	wrdreg $0x0  }
0xae: {  	s5 =	sshll.u32 s28, $0x1;
	[dreg:$0x2] =	wrdreg s3  }
0xaf: {  	[dreg:$0x3] =	wrdreg s5  }
0xb0: {  	[dreg:$0x4] =	wrdreg $0xC0  }
0xb1: {  	_ =	task [dreg:s7], $0x5FFFF  }
0xb2: {  	[dreg:$0x1] =	wrdreg $0xFFFFFFFF  }
0xb3: {  	[dreg:$0x0] =	wrdreg $0x60  }
0xb4: {  	[dreg:$0x2] =	wrdreg s16  }
0xb5: {  	[dreg:$0x3] =	wrdreg s24  }
0xb6: {  	[dreg:$0x4] =	wrdreg $0x9  }
0xb7: {  	_ =	task.clear_ibuf [dreg:s7], $0x5FFFF;
	_ =	strace $0x90000046  }
0xb8: {  	s29 =	simm.s32 $0x9;
	_ =	strace $0x80000048  }
0xb9: {  	_ =	swait.ge [sflag:s29], $0x1  }
0xba: {  	[sflag:s29] =	ssyncadd.s32 $0xFFFFFFFF  }
0xbb: {  	_ =	strace $0x90000048  }
0xbc: {  	_ =	sfence  }
0xbd: {  	s30 =	sld [smem:$0x0];
	_ =	sdelay $0x2  }
0xbe: {  	s31 =	sshll.u32 s1, $0xD;
	s1 =	sshrl.u32 s1, $0x2  }
0xbf: {  	s3 =	sand.u32 $0x4000, s31;
	s1 =	sadd.s32 s1, s30  }
0xc0: {  	s0 =	sor.u32 s3, s0;
	s1 =	sshll.u32 s1, $0x11  }
0xc1: {  	s0 =	sor.u32 s1, s0  }
0xc2: {  	s0 =	sadd.s32 $0x8F2B, s0  }
0xc3: {  	[sflag:s0] =	ssyncadd.remote.s32 $0x1  }
0xc4: {  	_ =	sfence.sel $0xFFFF  }
0xc5: {  	[dreg:$0x0] =	wrdreg $0xFFFFFFFF;
	(pc) =	sbr.abs _section_cstart, $3  }
0xc6: {  	[dreg:$0x1] =	wrdreg $0xFFFFFFFF  }
0xc7: {  	_ =	task.clear_ibuf [dreg:s7], $0x2FFFF;
	_ =	strace $0x9FFFFFFF  }
0xc8: {  	(tm) =	ssettm $0x7FFFFFFF  }
0xc9: {  	_ =	shalt  }
tec
execute0_lowered:
.L_overlay_start_1:
0x0: {  	(tag) =	ssettag $0x1  }
0x1: {  	s2 =	rddreg [dreg:$0x0]  }
0x2: {  	s0 =	srdreg.scid;
	s7 =	stileid.u32  }
0x3: {  	s1 =	rddreg [dreg:$0x1];
	s3 =	simm.s32 $0x0;
	s29 =	simm.s32 $0x680  }
0x4: {  	s11 =	simm.s32 $0xB780;
	s30 =	simm.s32 $0xBF80;
	s31 =	simm.s32 $0xEF80  }
0x5: {  	s16 =	simm.s32 $0x10780;
	s18 =	simm.s32 $0x10F80;
	s19 =	simm.s32 $0x11780  }
0x6: {  	s20 =	simm.s32 $0x11F80;
	s21 =	simm.s32 $0x12780;
	s22 =	simm.s32 $0x12F80  }
0x7: {  	s15 =	simm.s32 $0x14F80;
	s17 =	simm.s32 $0x2;
	s12 =	simm.s32 $0x5  }
0x8: {  	s28 =	simm.s32 $0x0;
	s0 =	sand.u32 $0x1, s0;
	s4 =	sshll.u32 s7, $0x1  }
0x9: {  	[smem:$0x7FF] =	sst s3;
	s7 =	smul.u32 $0x64000, s7;
	s8 =	sadd.s32 $0x1200, s1  }
0xa: {  	s10 =	sadd.s32 $0x300, s2;
	s5 =	sor.u32 s0, s4;
	_ =	strace $0x80000047  }
0xb: {  	s4 =	sadd.s32 $0x1400, s1;
	s23 =	ssub.s32 $0x2, s0;
	s0 =	smul.u32 $0x32000, s0  }
0xc: {  	[dreg:$0x3] =	wrdreg s8;
	s8 =	sadd.s32 $0x100, s2;
	s6 =	smul.u32 $0x640, s5  }
0xd: {  	s7 =	sadd.s32 s7, s1;
	s5 =	sshll.u32 s5, $0x1;
	s9 =	sshrl.u32 s23, $0x1  }
0xe: {  	s24 =	ssub.s32 s23, s9;
	s9 =	sadd.s32 $0x200, s2;
	s0 =	sadd.s32 s0, s7  }
0xf: {  	s23 =	simm.s32 $0x13780;
	s7 =	simm.s32 $0x3;
	s6 =	sshrl.u32 s6, $0x3  }
0x10: {  	s26 =	smax.u32 s24, $0x1;
	s13 =	sadd.s32 $0x23400, s0;
	s6 =	sadd.s32 s6, s1  }
0x11: {  	s0 =	simm.s32 $0xFF80;
	[dreg:$0x7] =	wrdreg s26;
	s25 =	sadd.s32 $0x1FE00, s6  }
0x12: {  	s1 =	sadd.s32 s5, s1;
	s6 =	sadd.s32 $0x21800, s6;
	[dreg:$0x4] =	wrdreg s25  }
0x13: {  	v2 =	vlaneseq.u32;
	s24 =	simm.s32 $0x13F80;
	s1 =	sadd.s32 $0x23200, s1;
	[dreg:$0x5] =	wrdreg s6  }
0x14: {  	vm0 =	vmmov $0xffff;
	vm1 =	vmmov $0x1;
	v1 =	vshrl.u32 v2, $0x3;
	s26 =	simm.s32 $0x6;
	s5 =	simm.s32 $0x14780;
	[dreg:$0x6] =	wrdreg s1  }
0x15: {  	v0 =	vand.u32 $0x7, v2;
	v2 =	vor.u32 $0x8, v2;
	v1 =	vmul.u32 $0x8, v1;
	s25 =	simm.s32 $0x1780;
	s1 =	simm.s32 $0xF780;
	s6 =	simm.s32 $0x1  }
.LBB2_1:
0x16: {  	[dreg:$0x8] =	wrdreg s28  }
0x17: {  	s14 =	rddreg [dreg:$0x4]  }
0x18: {  	[tilespmem:s3], [sflag:$0x6] =	stream.linear.gather [hbm4b:s14+s3], $0x640, $0x38;
	[tilespmem:$0x15800] =	vst v63  }
0x19: {  	_ =	swait.ge [sflag:s26], $0x640  }
0x1a: {  	[sflag:s26] =	ssyncset.done $0x0  }
0x1b: {  	s14 =	rddreg [dreg:$0x5];
	[sflag:s26] =	ssyncadd.s32 $0xFFFFF9C0  }
0x1c: {  	[tilespmem:s29], [sflag:$0x6] =	stream.linear.gather [hbm4b:s14+s3], $0x640, $0x38;
	[tilespmem:$0x15800] =	vst v63  }
0x1d: {  	_ =	swait.ge [sflag:s26], $0x640  }
0x1e: {  	[sflag:s26] =	ssyncset.done $0x0  }
0x1f: {  	s28 =	simm.s32 $0xD00;
	s14 =	rddreg [dreg:$0x3];
	[sflag:s26] =	ssyncadd.s32 $0xFFFFF9C0  }
0x20: {  	[tilespmem:s28], [sflag:$0x6] =	stream.linear.gather [hbm4b:s14+s3], $0x400, $0x38;
	[tilespmem:$0x15800] =	vst v63  }
0x21: {  	_ =	swait.ge [sflag:s26], $0x400  }
0x22: {  	[sflag:s26] =	ssyncset.done $0x0  }
0x23: {  	s14 =	simm.s32 $0x0;
	[sflag:s26] =	ssyncadd.s32 $0xFFFFFC00  }
0x24: {  	v4 =	vld [tilespmem:s14+$0x0];
	_ =	sdelay $0x1  }
0x25: {  	v3 =	vld [tilespmem:s14+$0x680];
	_ =	sdelay $0x2  }
0x26: {  	v4 =	vmul.u32 $0x3E8, v4  }
0x27: {  	s28 =	simm.s32 $0x80;
	s26 =	simm.s32 $0x10  }
.LBB2_2:
0x28: {  	p0 =	sne.s32 s28, $0x18C0;
	v5 =	vld [tilespmem:s26+$0x0];
	v3 =	vadd.s32 v3, v4  }
0x29: {  	[tilespmem:s14+$0x680] =	vst v3;
	s14 =	smov.u32 s26  }
.Ltmp0:
0x2a: {  	v3 =	vld [tilespmem:s14+$0x680];
	(pc) =	sbr.rel @p0 .LBB2_2-.Ltmp0, $3  }
0x2b: {  	_ =	sdelay $0x1  }
0x2c: {  	v4 =	vmul.u32 $0x3E8, v5  }
0x2d: {  	s26 =	sshra.s32 s28, $0x2;
	s28 =	sadd.s32 $0x40, s28  }
0x2e: {  	v5 =	vld [tilespmem:s26+$0x0];
	v3 =	vadd.s32 v3, v4  }
0x2f: {  	[tilespmem:s14+$0x680] =	vst v3  }
0x30: {  	v3 =	vld [tilespmem:s26+$0x680];
	_ =	sdelay $0x2  }
0x31: {  	v60 =	vmul.u32 $0x3E8, v5;
	_ =	sdelay $0x1  }
0x32: {  	v3 =	vadd.s32 v3, v60  }
0x33: {  	s28 =	simm.s32 $0x1100;
	s14 =	simm.s32 $0x50;
	[tilespmem:s26+$0x680] =	vst v3  }
0x34: {  	[tilespmem:s28], [sflag:$0x5] =	stream.indirect.gather [hbm4b:s4+s14], $0x1, s29, s14, $0xb8;
	[tilespmem:$0x15800] =	vst v63  }
0x35: {  	s26 =	simm.s32 $0x6D0;
	s28 =	simm.s32 $0x1150  }
0x36: {  	[tilespmem:s28], [sflag:$0x5] =	stream.indirect.gather [hbm4b:s4+s14], $0x1, s26, s14, $0xb8;
	[tilespmem:$0x15800] =	vst v63  }
0x37: {  	s26 =	simm.s32 $0x720;
	s28 =	simm.s32 $0x11A0  }
0x38: {  	[tilespmem:s28], [sflag:$0x5] =	stream.indirect.gather [hbm4b:s4+s14], $0x1, s26, s14, $0xb8;
	[tilespmem:$0x15800] =	vst v63  }
0x39: {  	s26 =	simm.s32 $0x770;
	s28 =	simm.s32 $0x11F0  }
0x3a: {  	[tilespmem:s28], [sflag:$0x5] =	stream.indirect.gather [hbm4b:s4+s14], $0x1, s26, s14, $0xb8;
	[tilespmem:$0x15800] =	vst v63  }
0x3b: {  	s26 =	simm.s32 $0x7C0;
	s28 =	simm.s32 $0x1240  }
0x3c: {  	[tilespmem:s28], [sflag:$0x5] =	stream.indirect.gather [hbm4b:s4+s14], $0x1, s26, s14, $0xb8;
	[tilespmem:$0x15800] =	vst v63  }
0x3d: {  	s26 =	simm.s32 $0x810;
	s28 =	simm.s32 $0x1290  }
0x3e: {  	[tilespmem:s28], [sflag:$0x5] =	stream.indirect.gather [hbm4b:s4+s14], $0x1, s26, s14, $0xb8;
	[tilespmem:$0x15800] =	vst v63  }
0x3f: {  	s26 =	simm.s32 $0x860;
	s28 =	simm.s32 $0x12E0  }
0x40: {  	[tilespmem:s28], [sflag:$0x5] =	stream.indirect.gather [hbm4b:s4+s14], $0x1, s26, s14, $0xb8;
	[tilespmem:$0x15800] =	vst v63  }
0x41: {  	s26 =	simm.s32 $0x8B0;
	s28 =	simm.s32 $0x1330  }
0x42: {  	[tilespmem:s28], [sflag:$0x5] =	stream.indirect.gather [hbm4b:s4+s14], $0x1, s26, s14, $0xb8;
	[tilespmem:$0x15800] =	vst v63  }
0x43: {  	s26 =	simm.s32 $0x900;
	s28 =	simm.s32 $0x1380  }
0x44: {  	[tilespmem:s28], [sflag:$0x5] =	stream.indirect.gather [hbm4b:s4+s14], $0x1, s26, s14, $0xb8;
	[tilespmem:$0x15800] =	vst v63  }
0x45: {  	s26 =	simm.s32 $0x950;
	s28 =	simm.s32 $0x13D0  }
0x46: {  	[tilespmem:s28], [sflag:$0x5] =	stream.indirect.gather [hbm4b:s4+s14], $0x1, s26, s14, $0xb8;
	[tilespmem:$0x15800] =	vst v63  }
0x47: {  	s26 =	simm.s32 $0x9A0;
	s28 =	simm.s32 $0x1420  }
0x48: {  	[tilespmem:s28], [sflag:$0x5] =	stream.indirect.gather [hbm4b:s4+s14], $0x1, s26, s14, $0xb8;
	[tilespmem:$0x15800] =	vst v63  }
0x49: {  	s26 =	simm.s32 $0x9F0;
	s28 =	simm.s32 $0x1470  }
0x4a: {  	[tilespmem:s28], [sflag:$0x5] =	stream.indirect.gather [hbm4b:s4+s14], $0x1, s26, s14, $0xb8;
	[tilespmem:$0x15800] =	vst v63  }
0x4b: {  	s26 =	simm.s32 $0xA40;
	s28 =	simm.s32 $0x14C0  }
0x4c: {  	[tilespmem:s28], [sflag:$0x5] =	stream.indirect.gather [hbm4b:s4+s14], $0x1, s26, s14, $0xb8;
	[tilespmem:$0x15800] =	vst v63  }
0x4d: {  	s26 =	simm.s32 $0xA90;
	s28 =	simm.s32 $0x1510  }
0x4e: {  	[tilespmem:s28], [sflag:$0x5] =	stream.indirect.gather [hbm4b:s4+s14], $0x1, s26, s14, $0xb8;
	[tilespmem:$0x15800] =	vst v63  }
0x4f: {  	s26 =	simm.s32 $0xAE0;
	s28 =	simm.s32 $0x1560  }
0x50: {  	[tilespmem:s28], [sflag:$0x5] =	stream.indirect.gather [hbm4b:s4+s14], $0x1, s26, s14, $0xb8;
	[tilespmem:$0x15800] =	vst v63  }
0x51: {  	s26 =	simm.s32 $0xB30;
	s28 =	simm.s32 $0x15B0  }
0x52: {  	[tilespmem:s28], [sflag:$0x5] =	stream.indirect.gather [hbm4b:s4+s14], $0x1, s26, s14, $0xb8;
	[tilespmem:$0x15800] =	vst v63  }
0x53: {  	s26 =	simm.s32 $0xB80;
	s28 =	simm.s32 $0x1600  }
0x54: {  	[tilespmem:s28], [sflag:$0x5] =	stream.indirect.gather [hbm4b:s4+s14], $0x1, s26, s14, $0xb8;
	[tilespmem:$0x15800] =	vst v63  }
0x55: {  	s26 =	simm.s32 $0xBD0;
	s28 =	simm.s32 $0x1650  }
0x56: {  	[tilespmem:s28], [sflag:$0x5] =	stream.indirect.gather [hbm4b:s4+s14], $0x1, s26, s14, $0xb8;
	[tilespmem:$0x15800] =	vst v63  }
0x57: {  	s26 =	simm.s32 $0xC20;
	s28 =	simm.s32 $0x16A0  }
0x58: {  	[tilespmem:s28], [sflag:$0x5] =	stream.indirect.gather [hbm4b:s4+s14], $0x1, s26, s14, $0xb8;
	[tilespmem:$0x15800] =	vst v63  }
0x59: {  	s26 =	simm.s32 $0xC70;
	s28 =	simm.s32 $0x16F0  }
0x5a: {  	[tilespmem:s28], [sflag:$0x5] =	stream.indirect.gather [hbm4b:s4+s14], $0x1, s26, s14, $0xb8;
	[tilespmem:$0x15800] =	vst v63  }
0x5b: {  	v3 =	vld [tilespmem:$0x0];
	_ =	sdelay $0x4  }
0x5c: {  	v61 =	vshll.u32 v3, $0x3  }
0x5d: {  	v3 =	vand.u32 $0x7, v3;
	v4 =	vand.u32 $0xFFFFFFC0, v61  }
0x5e: {  	v3 =	vor.u32 v3, v4  }
0x5f: {  	v4 =	vperm.xlane v3, v0;
	_ =	sdelay $0x1  }
0x60: {  	v4 =	vadd.s32 v1, v4;
	_ =	sdelay $0x3  }
0x61: {  	s14 =	simm.s32 $0x0  }
0x62: {  	[tilespmem:s25], [sflag:$0x1] =	stream.indirect_vreg.gather [hbm4b:s2+s14], $0x80, v4, vm0, $0xb8;
	[tilespmem:$0x15800] =	vst v63  }
0x63: {  	s29 =	simm.s32 $0x1F80;
	v3 =	vperm.xlane v3, v2  }
0x64: {  	[tilespmem:s29], [sflag:$0x1] =	stream.indirect_vreg.gather [hbm4b:s8+s14], $0x80, v4, vm0, $0xb8;
	[tilespmem:$0x15800] =	vst v63  }
0x65: {  	s28 =	simm.s32 $0x2780;
	v3 =	vadd.s32 v1, v3  }
0x66: {  	[tilespmem:s28], [sflag:$0x1] =	stream.indirect_vreg.gather [hbm4b:s9+s14], $0x80, v4, vm0, $0xb8;
	[tilespmem:$0x15800] =	vst v63  }
0x67: {  	s28 =	simm.s32 $0x2F80  }
0x68: {  	[tilespmem:s28], [sflag:$0x1] =	stream.indirect_vreg.gather [hbm4b:s10+s14], $0x80, v4, vm0, $0xb8;
	[tilespmem:$0x15800] =	vst v63  }
0x69: {  	s28 =	simm.s32 $0x3780  }
0x6a: {  	[tilespmem:s28], [sflag:$0x1] =	stream.indirect_vreg.gather [hbm4b:s2+s14], $0x80, v3, vm0, $0xb8;
	[tilespmem:$0x15800] =	vst v63  }
0x6b: {  	s28 =	simm.s32 $0x3F80  }
0x6c: {  	[tilespmem:s28], [sflag:$0x1] =	stream.indirect_vreg.gather [hbm4b:s8+s14], $0x80, v3, vm0, $0xb8;
	[tilespmem:$0x15800] =	vst v63  }
0x6d: {  	s28 =	simm.s32 $0x4780  }
0x6e: {  	[tilespmem:s28], [sflag:$0x1] =	stream.indirect_vreg.gather [hbm4b:s9+s14], $0x80, v3, vm0, $0xb8;
	[tilespmem:$0x15800] =	vst v63  }
0x6f: {  	s28 =	simm.s32 $0x4F80  }
0x70: {  	[tilespmem:s28], [sflag:$0x1] =	stream.indirect_vreg.gather [hbm4b:s10+s14], $0x80, v3, vm0, $0xb8;
	[tilespmem:$0x15800] =	vst v63  }
0x71: {  	v3 =	vld [tilespmem:$0x10];
	_ =	sdelay $0x4  }
0x72: {  	v62 =	vshll.u32 v3, $0x3  }
0x73: {  	v3 =	vand.u32 $0x7, v3;
	v4 =	vand.u32 $0xFFFFFFC0, v62  }
0x74: {  	v3 =	vor.u32 v3, v4  }
0x75: {  	v4 =	vperm.xlane v3, v0;
	_ =	sdelay $0x1  }
0x76: {  	v4 =	vadd.s32 v1, v4;
	_ =	sdelay $0x3  }
0x77: {  	s28 =	simm.s32 $0x5780  }
0x78: {  	[tilespmem:s28], [sflag:$0x1] =	stream.indirect_vreg.gather [hbm4b:s2+s14], $0x80, v4, vm0, $0xb8;
	[tilespmem:$0x15800] =	vst v63  }
0x79: {  	v3 =	vperm.xlane v3, v2;
	s28 =	simm.s32 $0x5F80  }
0x7a: {  	[tilespmem:s28], [sflag:$0x1] =	stream.indirect_vreg.gather [hbm4b:s8+s14], $0x80, v4, vm0, $0xb8;
	[tilespmem:$0x15800] =	vst v63  }
0x7b: {  	v3 =	vadd.s32 v1, v3;
	s28 =	simm.s32 $0x6780  }
0x7c: {  	[tilespmem:s28], [sflag:$0x1] =	stream.indirect_vreg.gather [hbm4b:s9+s14], $0x80, v4, vm0, $0xb8;
	[tilespmem:$0x15800] =	vst v63  }
0x7d: {  	s28 =	simm.s32 $0x6F80  }
0x7e: {  	[tilespmem:s28], [sflag:$0x1] =	stream.indirect_vreg.gather [hbm4b:s10+s14], $0x80, v4, vm0, $0xb8;
	[tilespmem:$0x15800] =	vst v63  }
0x7f: {  	s28 =	simm.s32 $0x7780  }
0x80: {  	[tilespmem:s28], [sflag:$0x1] =	stream.indirect_vreg.gather [hbm4b:s2+s14], $0x80, v3, vm0, $0xb8;
	[tilespmem:$0x15800] =	vst v63  }
0x81: {  	s28 =	simm.s32 $0x7F80  }
0x82: {  	[tilespmem:s28], [sflag:$0x1] =	stream.indirect_vreg.gather [hbm4b:s8+s14], $0x80, v3, vm0, $0xb8;
	[tilespmem:$0x15800] =	vst v63  }
0x83: {  	s28 =	simm.s32 $0x8780  }
0x84: {  	[tilespmem:s28], [sflag:$0x1] =	stream.indirect_vreg.gather [hbm4b:s9+s14], $0x80, v3, vm0, $0xb8;
	[tilespmem:$0x15800] =	vst v63  }
0x85: {  	s28 =	simm.s32 $0x8F80  }
0x86: {  	[tilespmem:s28], [sflag:$0x1] =	stream.indirect_vreg.gather [hbm4b:s10+s14], $0x80, v3, vm0, $0xb8;
	[tilespmem:$0x15800] =	vst v63  }
0x87: {  	v3 =	vld.msk [tilespmem:$0x20], $0xff;
	_ =	sdelay $0x4  }
0x88: {  	v63 =	vshll.u32 v3, $0x3  }
0x89: {  	v3 =	vand.u32 $0x7, v3;
	v4 =	vand.u32 $0xFFFFFFC0, v63  }
0x8a: {  	v3 =	vor.u32 v3, v4  }
0x8b: {  	v3 =	vperm.xlane v3, v0;
	_ =	sdelay $0x1  }
0x8c: {  	v3 =	vadd.s32 v1, v3;
	_ =	sdelay $0x3  }
0x8d: {  	s28 =	simm.s32 $0x9780  }
0x8e: {  	[tilespmem:s28], [sflag:$0x1] =	stream.indirect_vreg.gather [hbm4b:s2+s14], $0x80, v3, vm0, $0xb8;
	[tilespmem:$0x15800] =	vst v63  }
0x8f: {  	s28 =	simm.s32 $0x9F80  }
0x90: {  	[tilespmem:s28], [sflag:$0x1] =	stream.indirect_vreg.gather [hbm4b:s8+s14], $0x80, v3, vm0, $0xb8;
	[tilespmem:$0x15800] =	vst v63  }
.Ltmp1:
0x91: {  	_ = 	snop;
	(pc) =	sbr.rel .LBB2_4-.Ltmp1, $4  }
0x92: {  	s28 =	simm.s32 $0xA780  }
0x93: {  	[tilespmem:s28], [sflag:$0x1] =	stream.indirect_vreg.gather [hbm4b:s9+s14], $0x80, v3, vm0, $0xb8;
	[tilespmem:$0x15800] =	vst v63  }
0x94: {  	s26 =	simm.s32 $0x38;
	s28 =	simm.s32 $0xAF80  }
0x95: {  	[tilespmem:s28], [sflag:$0x1] =	stream.indirect_vreg.gather [hbm4b:s10+s14], $0x80, v3, vm0, $0xb8;
	[tilespmem:$0x15800] =	vst v63  }
.LBB2_6:
0x96: {  	s14 =	sadd.s32 $0x2800, s14  }
0x97: {  	p0 =	sne.s32 s14, $0x32000  }
.Ltmp2:
0x98: {  	_ = 	snop;
	(pc) =	sbr.rel @!p0 .LBB2_7-.Ltmp2, $4  }
0x99: {  	_ =	swait.ge [sflag:s17], $0xA000  }
0x9a: {  	[sflag:s17] =	ssyncset.done $0x0  }
0x9b: {  	s28 =	sadd.s32 $0x1400, s28;
	s26 =	sadd.s32 $0x50, s26;
	[sflag:s17] =	ssyncadd.s32 $0xFFFF6000  }
0x9c: {  	[hbm4b:s28+s3] =	stream.linear.scatter [tilespmem:s11], [sflag:$0x4], $0xA000, $0x38;
	[tilespmem:$0x15800] =	vst v63  }
.LBB2_4:
0x9d: {  	p0 =	seq.s32 s14, $0x0  }
0x9e: {  	s28 =	simm.s32 @!p0 $0x4  }
0x9f: {  	_ =	swait.ge @!p0 [sflag:s28], $0xA000  }
0xa0: {  	[sflag:s28] =	ssyncset.done @!p0 $0x0  }
0xa1: {  	[sflag:s28] =	ssyncadd.s32 @!p0 $0xFFFF6000  }
0xa2: {  	v3 =	vld [tilespmem:s26+$0xFFFFFFF0];
	_ =	sdelay $0x4  }
0xa3: {  	v4 =	vshll.u32 v3, $0x3  }
0xa4: {  	v3 =	vand.u32 $0x7, v3;
	v4 =	vand.u32 $0xFFFFFFC0, v4  }
0xa5: {  	v3 =	vor.u32 v3, v4  }
0xa6: {  	v4 =	vperm.xlane v3, v0;
	_ =	sdelay $0x1  }
0xa7: {  	v4 =	vadd.s32 v1, v4;
	_ =	sdelay $0x4  }
0xa8: {  	[tilespmem:s11], [sflag:$0x2] =	stream.indirect_vreg.gather [hbm4b:s2+s3], $0x80, v4, vm0, $0xb8;
	[tilespmem:$0x15800] =	vst v63  }
0xa9: {  	v3 =	vperm.xlane v3, v2  }
0xaa: {  	[tilespmem:s30], [sflag:$0x2] =	stream.indirect_vreg.gather [hbm4b:s8+s3], $0x80, v4, vm0, $0xb8;
	[tilespmem:$0x15800] =	vst v63  }
0xab: {  	s28 =	simm.s32 $0xC780;
	v3 =	vadd.s32 v1, v3  }
0xac: {  	[tilespmem:s28], [sflag:$0x2] =	stream.indirect_vreg.gather [hbm4b:s9+s3], $0x80, v4, vm0, $0xb8;
	[tilespmem:$0x15800] =	vst v63  }
0xad: {  	s28 =	simm.s32 $0xCF80  }
0xae: {  	[tilespmem:s28], [sflag:$0x2] =	stream.indirect_vreg.gather [hbm4b:s10+s3], $0x80, v4, vm0, $0xb8;
	[tilespmem:$0x15800] =	vst v63  }
0xaf: {  	s28 =	simm.s32 $0xD780  }
0xb0: {  	[tilespmem:s28], [sflag:$0x2] =	stream.indirect_vreg.gather [hbm4b:s2+s3], $0x80, v3, vm0, $0xb8;
	[tilespmem:$0x15800] =	vst v63  }
0xb1: {  	s28 =	simm.s32 $0xDF80  }
0xb2: {  	[tilespmem:s28], [sflag:$0x2] =	stream.indirect_vreg.gather [hbm4b:s8+s3], $0x80, v3, vm0, $0xb8;
	[tilespmem:$0x15800] =	vst v63  }
0xb3: {  	s28 =	simm.s32 $0xE780  }
0xb4: {  	[tilespmem:s28], [sflag:$0x2] =	stream.indirect_vreg.gather [hbm4b:s9+s3], $0x80, v3, vm0, $0xb8;
	[tilespmem:$0x15800] =	vst v63  }
0xb5: {  	_ = 	snop  }
0xb6: {  	[tilespmem:s31], [sflag:$0x2] =	stream.indirect_vreg.gather [hbm4b:s10+s3], $0x80, v3, vm0, $0xb8;
	[tilespmem:$0x15800] =	vst v63  }
0xb7: {  	v3 =	vld [tilespmem:s26+$0x0];
	_ =	sdelay $0x4  }
0xb8: {  	v62 =	vshll.u32 v3, $0x3  }
0xb9: {  	v3 =	vand.u32 $0x7, v3;
	v4 =	vand.u32 $0xFFFFFFC0, v62  }
0xba: {  	v3 =	vor.u32 v3, v4  }
0xbb: {  	v4 =	vperm.xlane v3, v0;
	_ =	sdelay $0x1  }
0xbc: {  	v4 =	vadd.s32 v1, v4;
	_ =	sdelay $0x4  }
0xbd: {  	[tilespmem:s1], [sflag:$0x2] =	stream.indirect_vreg.gather [hbm4b:s2+s3], $0x80, v4, vm0, $0xb8;
	[tilespmem:$0x15800] =	vst v63  }
0xbe: {  	v3 =	vperm.xlane v3, v2  }
0xbf: {  	[tilespmem:s0], [sflag:$0x2] =	stream.indirect_vreg.gather [hbm4b:s8+s3], $0x80, v4, vm0, $0xb8;
	[tilespmem:$0x15800] =	vst v63  }
0xc0: {  	v3 =	vadd.s32 v1, v3  }
0xc1: {  	[tilespmem:s16], [sflag:$0x2] =	stream.indirect_vreg.gather [hbm4b:s9+s3], $0x80, v4, vm0, $0xb8;
	[tilespmem:$0x15800] =	vst v63  }
0xc2: {  	_ = 	snop  }
0xc3: {  	[tilespmem:s18], [sflag:$0x2] =	stream.indirect_vreg.gather [hbm4b:s10+s3], $0x80, v4, vm0, $0xb8;
	[tilespmem:$0x15800] =	vst v63  }
0xc4: {  	_ = 	snop  }
0xc5: {  	[tilespmem:s19], [sflag:$0x2] =	stream.indirect_vreg.gather [hbm4b:s2+s3], $0x80, v3, vm0, $0xb8;
	[tilespmem:$0x15800] =	vst v63  }
0xc6: {  	_ = 	snop  }
0xc7: {  	[tilespmem:s20], [sflag:$0x2] =	stream.indirect_vreg.gather [hbm4b:s8+s3], $0x80, v3, vm0, $0xb8;
	[tilespmem:$0x15800] =	vst v63  }
0xc8: {  	_ = 	snop  }
0xc9: {  	[tilespmem:s21], [sflag:$0x2] =	stream.indirect_vreg.gather [hbm4b:s9+s3], $0x80, v3, vm0, $0xb8;
	[tilespmem:$0x15800] =	vst v63  }
0xca: {  	_ = 	snop  }
0xcb: {  	[tilespmem:s22], [sflag:$0x2] =	stream.indirect_vreg.gather [hbm4b:s10+s3], $0x80, v3, vm0, $0xb8;
	[tilespmem:$0x15800] =	vst v63  }
0xcc: {  	v3 =	vld.msk [tilespmem:s26+$0x10], $0xff;
	_ =	sdelay $0x4  }
0xcd: {  	v63 =	vshll.u32 v3, $0x3  }
0xce: {  	v3 =	vand.u32 $0x7, v3;
	v4 =	vand.u32 $0xFFFFFFC0, v63  }
0xcf: {  	v3 =	vor.u32 v3, v4  }
0xd0: {  	v3 =	vperm.xlane v3, v0;
	_ =	sdelay $0x1  }
0xd1: {  	v3 =	vadd.s32 v1, v3;
	_ =	sdelay $0x4  }
0xd2: {  	[tilespmem:s23], [sflag:$0x2] =	stream.indirect_vreg.gather [hbm4b:s2+s3], $0x80, v3, vm0, $0xb8;
	[tilespmem:$0x15800] =	vst v63  }
0xd3: {  	_ = 	snop  }
0xd4: {  	[tilespmem:s24], [sflag:$0x2] =	stream.indirect_vreg.gather [hbm4b:s8+s3], $0x80, v3, vm0, $0xb8;
	[tilespmem:$0x15800] =	vst v63  }
0xd5: {  	_ = 	snop  }
0xd6: {  	[tilespmem:s5], [sflag:$0x2] =	stream.indirect_vreg.gather [hbm4b:s9+s3], $0x80, v3, vm0, $0xb8;
	[tilespmem:$0x15800] =	vst v63  }
0xd7: {  	_ = 	snop  }
0xd8: {  	[tilespmem:s15], [sflag:$0x2] =	stream.indirect_vreg.gather [hbm4b:s10+s3], $0x80, v3, vm0, $0xb8;
	[tilespmem:$0x15800] =	vst v63  }
0xd9: {  	_ =	swait.ge [sflag:s6], $0xA000  }
0xda: {  	p0 =	seq.s32 s14, $0x2F800;
	[sflag:s6] =	ssyncset.done $0x0  }
.Ltmp3:
0xdb: {  	s28 =	sadd.s32 s14, s13;
	[sflag:s6] =	ssyncadd.s32 $0xFFFF6000;
	(pc) =	sbr.rel @p0 .LBB2_6-.Ltmp3, $4  }
0xdc: {  	[hbm4b:s28+s3] =	stream.linear.scatter [tilespmem:s25], [sflag:$0x3], $0xA000, $0x38;
	[tilespmem:$0x15800] =	vst v63  }
0xdd: {  	_ =	swait.ge [sflag:s7], $0xA000  }
0xde: {  	[sflag:s7] =	ssyncset.done $0x0  }
0xdf: {  	[sflag:s7] =	ssyncadd.s32 $0xFFFF6000  }
0xe0: {  	v3 =	vld [tilespmem:s26+$0x18];
	_ =	sdelay $0x4  }
0xe1: {  	v4 =	vshll.u32 v3, $0x3  }
0xe2: {  	v3 =	vand.u32 $0x7, v3;
	v4 =	vand.u32 $0xFFFFFFC0, v4  }
0xe3: {  	v3 =	vor.u32 v3, v4  }
0xe4: {  	v4 =	vperm.xlane v3, v0;
	_ =	sdelay $0x1  }
0xe5: {  	v4 =	vadd.s32 v1, v4;
	_ =	sdelay $0x4  }
0xe6: {  	[tilespmem:s25], [sflag:$0x1] =	stream.indirect_vreg.gather [hbm4b:s2+s3], $0x80, v4, vm0, $0xb8;
	[tilespmem:$0x15800] =	vst v63  }
0xe7: {  	v3 =	vperm.xlane v3, v2  }
0xe8: {  	[tilespmem:s29], [sflag:$0x1] =	stream.indirect_vreg.gather [hbm4b:s8+s3], $0x80, v4, vm0, $0xb8;
	[tilespmem:$0x15800] =	vst v63  }
0xe9: {  	s30 =	simm.s32 $0x2780;
	v3 =	vadd.s32 v1, v3  }
0xea: {  	[tilespmem:s30], [sflag:$0x1] =	stream.indirect_vreg.gather [hbm4b:s9+s3], $0x80, v4, vm0, $0xb8;
	[tilespmem:$0x15800] =	vst v63  }
0xeb: {  	s30 =	simm.s32 $0x2F80  }
0xec: {  	[tilespmem:s30], [sflag:$0x1] =	stream.indirect_vreg.gather [hbm4b:s10+s3], $0x80, v4, vm0, $0xb8;
	[tilespmem:$0x15800] =	vst v63  }
0xed: {  	s30 =	simm.s32 $0x3780  }
0xee: {  	[tilespmem:s30], [sflag:$0x1] =	stream.indirect_vreg.gather [hbm4b:s2+s3], $0x80, v3, vm0, $0xb8;
	[tilespmem:$0x15800] =	vst v63  }
0xef: {  	s30 =	simm.s32 $0x3F80  }
0xf0: {  	[tilespmem:s30], [sflag:$0x1] =	stream.indirect_vreg.gather [hbm4b:s8+s3], $0x80, v3, vm0, $0xb8;
	[tilespmem:$0x15800] =	vst v63  }
0xf1: {  	s30 =	simm.s32 $0x4780  }
0xf2: {  	[tilespmem:s30], [sflag:$0x1] =	stream.indirect_vreg.gather [hbm4b:s9+s3], $0x80, v3, vm0, $0xb8;
	[tilespmem:$0x15800] =	vst v63  }
0xf3: {  	s30 =	simm.s32 $0x4F80  }
0xf4: {  	[tilespmem:s30], [sflag:$0x1] =	stream.indirect_vreg.gather [hbm4b:s10+s3], $0x80, v3, vm0, $0xb8;
	[tilespmem:$0x15800] =	vst v63  }
0xf5: {  	v3 =	vld [tilespmem:s26+$0x28];
	_ =	sdelay $0x4  }
0xf6: {  	v62 =	vshll.u32 v3, $0x3  }
0xf7: {  	v3 =	vand.u32 $0x7, v3;
	v4 =	vand.u32 $0xFFFFFFC0, v62  }
0xf8: {  	v3 =	vor.u32 v3, v4  }
0xf9: {  	v4 =	vperm.xlane v3, v0;
	_ =	sdelay $0x1  }
0xfa: {  	v4 =	vadd.s32 v1, v4;
	_ =	sdelay $0x3  }
0xfb: {  	s30 =	simm.s32 $0x5780  }
0xfc: {  	[tilespmem:s30], [sflag:$0x1] =	stream.indirect_vreg.gather [hbm4b:s2+s3], $0x80, v4, vm0, $0xb8;
	[tilespmem:$0x15800] =	vst v63  }
0xfd: {  	v3 =	vperm.xlane v3, v2;
	s30 =	simm.s32 $0x5F80  }
0xfe: {  	[tilespmem:s30], [sflag:$0x1] =	stream.indirect_vreg.gather [hbm4b:s8+s3], $0x80, v4, vm0, $0xb8;
	[tilespmem:$0x15800] =	vst v63  }
0xff: {  	v3 =	vadd.s32 v1, v3;
	s30 =	simm.s32 $0x6780  }
0x100: {  	[tilespmem:s30], [sflag:$0x1] =	stream.indirect_vreg.gather [hbm4b:s9+s3], $0x80, v4, vm0, $0xb8;
	[tilespmem:$0x15800] =	vst v63  }
0x101: {  	s30 =	simm.s32 $0x6F80  }
0x102: {  	[tilespmem:s30], [sflag:$0x1] =	stream.indirect_vreg.gather [hbm4b:s10+s3], $0x80, v4, vm0, $0xb8;
	[tilespmem:$0x15800] =	vst v63  }
0x103: {  	s30 =	simm.s32 $0x7780  }
0x104: {  	[tilespmem:s30], [sflag:$0x1] =	stream.indirect_vreg.gather [hbm4b:s2+s3], $0x80, v3, vm0, $0xb8;
	[tilespmem:$0x15800] =	vst v63  }
0x105: {  	s30 =	simm.s32 $0x7F80  }
0x106: {  	[tilespmem:s30], [sflag:$0x1] =	stream.indirect_vreg.gather [hbm4b:s8+s3], $0x80, v3, vm0, $0xb8;
	[tilespmem:$0x15800] =	vst v63  }
0x107: {  	s30 =	simm.s32 $0x8780  }
0x108: {  	[tilespmem:s30], [sflag:$0x1] =	stream.indirect_vreg.gather [hbm4b:s9+s3], $0x80, v3, vm0, $0xb8;
	[tilespmem:$0x15800] =	vst v63  }
0x109: {  	s30 =	simm.s32 $0x8F80  }
0x10a: {  	[tilespmem:s30], [sflag:$0x1] =	stream.indirect_vreg.gather [hbm4b:s10+s3], $0x80, v3, vm0, $0xb8;
	[tilespmem:$0x15800] =	vst v63  }
0x10b: {  	v3 =	vld.msk [tilespmem:s26+$0x38], $0xff;
	_ =	sdelay $0x4  }
0x10c: {  	v63 =	vshll.u32 v3, $0x3  }
0x10d: {  	v3 =	vand.u32 $0x7, v3;
	v4 =	vand.u32 $0xFFFFFFC0, v63  }
0x10e: {  	v3 =	vor.u32 v3, v4  }
0x10f: {  	v3 =	vperm.xlane v3, v0;
	_ =	sdelay $0x1  }
0x110: {  	v3 =	vadd.s32 v1, v3;
	_ =	sdelay $0x3  }
0x111: {  	s30 =	simm.s32 $0x9780  }
0x112: {  	[tilespmem:s30], [sflag:$0x1] =	stream.indirect_vreg.gather [hbm4b:s2+s3], $0x80, v3, vm0, $0xb8;
	[tilespmem:$0x15800] =	vst v63  }
0x113: {  	s30 =	simm.s32 $0x9F80  }
0x114: {  	[tilespmem:s30], [sflag:$0x1] =	stream.indirect_vreg.gather [hbm4b:s8+s3], $0x80, v3, vm0, $0xb8;
	[tilespmem:$0x15800] =	vst v63  }
.Ltmp4:
0x115: {  	s30 =	simm.s32 $0xA780;
	(pc) =	sbr.rel .LBB2_6-.Ltmp4, $4  }
0x116: {  	[tilespmem:s30], [sflag:$0x1] =	stream.indirect_vreg.gather [hbm4b:s9+s3], $0x80, v3, vm0, $0xb8;
	[tilespmem:$0x15800] =	vst v63  }
0x117: {  	s30 =	simm.s32 $0xAF80  }
0x118: {  	[tilespmem:s30], [sflag:$0x1] =	stream.indirect_vreg.gather [hbm4b:s10+s3], $0x80, v3, vm0, $0xb8;
	[tilespmem:$0x15800] =	vst v63  }
0x119: {  	s30 =	simm.s32 $0xBF80  }
.LBB2_7:
0x11a: {  	_ =	swait.ge [sflag:s12], $0x50  }
0x11b: {  	[sflag:s12] =	ssyncset.done $0x0  }
0x11c: {  	[sflag:s12] =	ssyncadd.s32 $0xFFFFFFB0  }
0x11d: {  	_ =	swait.ge [sflag:s12], $0x50  }
0x11e: {  	[sflag:s12] =	ssyncset.done $0x0  }
0x11f: {  	[sflag:s12] =	ssyncadd.s32 $0xFFFFFFB0  }
0x120: {  	_ =	swait.ge [sflag:s12], $0x50  }
0x121: {  	[sflag:s12] =	ssyncset.done $0x0  }
0x122: {  	[sflag:s12] =	ssyncadd.s32 $0xFFFFFFB0  }
0x123: {  	_ =	swait.ge [sflag:s12], $0x50  }
0x124: {  	[sflag:s12] =	ssyncset.done $0x0  }
0x125: {  	[sflag:s12] =	ssyncadd.s32 $0xFFFFFFB0  }
0x126: {  	_ =	swait.ge [sflag:s12], $0x50  }
0x127: {  	[sflag:s12] =	ssyncset.done $0x0  }
0x128: {  	[sflag:s12] =	ssyncadd.s32 $0xFFFFFFB0  }
0x129: {  	_ =	swait.ge [sflag:s12], $0x50  }
0x12a: {  	[sflag:s12] =	ssyncset.done $0x0  }
0x12b: {  	[sflag:s12] =	ssyncadd.s32 $0xFFFFFFB0  }
0x12c: {  	_ =	swait.ge [sflag:s12], $0x50  }
0x12d: {  	[sflag:s12] =	ssyncset.done $0x0  }
0x12e: {  	[sflag:s12] =	ssyncadd.s32 $0xFFFFFFB0  }
0x12f: {  	_ =	swait.ge [sflag:s12], $0x50  }
0x130: {  	[sflag:s12] =	ssyncset.done $0x0  }
0x131: {  	[sflag:s12] =	ssyncadd.s32 $0xFFFFFFB0  }
0x132: {  	_ =	swait.ge [sflag:s12], $0x50  }
0x133: {  	[sflag:s12] =	ssyncset.done $0x0  }
0x134: {  	[sflag:s12] =	ssyncadd.s32 $0xFFFFFFB0  }
0x135: {  	_ =	swait.ge [sflag:s12], $0x50  }
0x136: {  	[sflag:s12] =	ssyncset.done $0x0  }
0x137: {  	[sflag:s12] =	ssyncadd.s32 $0xFFFFFFB0  }
0x138: {  	_ =	swait.ge [sflag:s12], $0x50  }
0x139: {  	[sflag:s12] =	ssyncset.done $0x0  }
0x13a: {  	[sflag:s12] =	ssyncadd.s32 $0xFFFFFFB0  }
0x13b: {  	_ =	swait.ge [sflag:s12], $0x50  }
0x13c: {  	[sflag:s12] =	ssyncset.done $0x0  }
0x13d: {  	[sflag:s12] =	ssyncadd.s32 $0xFFFFFFB0  }
0x13e: {  	_ =	swait.ge [sflag:s12], $0x50  }
0x13f: {  	[sflag:s12] =	ssyncset.done $0x0  }
0x140: {  	[sflag:s12] =	ssyncadd.s32 $0xFFFFFFB0  }
0x141: {  	_ =	swait.ge [sflag:s12], $0x50  }
0x142: {  	[sflag:s12] =	ssyncset.done $0x0  }
0x143: {  	[sflag:s12] =	ssyncadd.s32 $0xFFFFFFB0  }
0x144: {  	_ =	swait.ge [sflag:s12], $0x50  }
0x145: {  	[sflag:s12] =	ssyncset.done $0x0  }
0x146: {  	[sflag:s12] =	ssyncadd.s32 $0xFFFFFFB0  }
0x147: {  	_ =	swait.ge [sflag:s12], $0x50  }
0x148: {  	[sflag:s12] =	ssyncset.done $0x0  }
0x149: {  	[sflag:s12] =	ssyncadd.s32 $0xFFFFFFB0  }
0x14a: {  	_ =	swait.ge [sflag:s12], $0x50  }
0x14b: {  	[sflag:s12] =	ssyncset.done $0x0  }
0x14c: {  	[sflag:s12] =	ssyncadd.s32 $0xFFFFFFB0  }
0x14d: {  	_ =	swait.ge [sflag:s12], $0x50  }
0x14e: {  	[sflag:s12] =	ssyncset.done $0x0  }
0x14f: {  	[sflag:s12] =	ssyncadd.s32 $0xFFFFFFB0  }
0x150: {  	_ =	swait.ge [sflag:s12], $0x50  }
0x151: {  	[sflag:s12] =	ssyncset.done $0x0  }
0x152: {  	[sflag:s12] =	ssyncadd.s32 $0xFFFFFFB0  }
0x153: {  	_ =	swait.ge [sflag:s12], $0x50  }
0x154: {  	[sflag:s12] =	ssyncset.done $0x0  }
0x155: {  	s26 =	simm.s32 $0x0;
	[sflag:s12] =	ssyncadd.s32 $0xFFFFFFB0  }
0x156: {  	v3 =	vld [tilespmem:s26+$0x0];
	_ =	sdelay $0x4  }
0x157: {  	v3 =	vadd.s32 $0xD00, v3  }
0x158: {  	(v2sf) =	vpush v3, $0x0;
	_ =	sdelay $0x1  }
0x159: {  	(v2sf) =	vpush v3, $0x1;
	_ =	sdelay $0x1  }
0x15a: {  	(v2sf) =	vpush v3, $0x2  }
0x15b: {  	(v2sf) =	vpush v3, $0x3;
	_ =	sdelay $0x1  }
0x15c: {  	(v2sf) =	vpush v3, $0x4;
	_ =	sdelay $0x2  }
0x15d: {  	(v2sf) =	vpush v3, $0x5  }
0x15e: {  	(v2sf) =	vpush v3, $0x6;
	_ =	sdelay $0x1  }
0x15f: {  	(v2sf) =	vpush v3, $0x7  }
0x160: {  	v4 =	vld [tilespmem:s26+$0x1105]  }
0x161: {  	v5 =	vld [tilespmem:s26+$0x1100];
	(v2sf) =	vpush v3, $0x8;
	s14 =	spop (v2sf)  }
0x162: {  	v6 =	vld [tilespmem:s14+$0x0]  }
0x163: {  	v7 =	vld [tilespmem:s26+$0x1101];
	(v2sf) =	vpush v3, $0x9;
	s14 =	spop (v2sf)  }
0x164: {  	v9 =	vld [tilespmem:s14+$0x0]  }
0x165: {  	v10 =	vld [tilespmem:s26+$0x1102];
	s14 =	spop (v2sf)  }
0x166: {  	(v2sf) =	vpush v3, $0xA;
	v12 =	vld [tilespmem:s14+$0x0];
	s14 =	spop (v2sf)  }
0x167: {  	v8 =	vld [tilespmem:s14+$0x0];
	v6 =	vsub.f32 v6, v5  }
0x168: {  	v11 =	vimm.f32 $0.0e+00;
	(v2sf) =	vpush v3, $0xB;
	s28 =	spop (v2sf);
	v5 =	vld [tilespmem:s26+$0x1103]  }
0x169: {  	v13 =	vsub.f32 v9, v7;
	v9 =	vld [tilespmem:s28+$0x0];
	v11 =	vadd.f32 v6, v11  }
0x16a: {  	(v2sf) =	vpush v3, $0xC;
	s14 =	simm.s32 $0x10;
	v6 =	vld [tilespmem:s26+$0x1104]  }
0x16b: {  	s29 =	spop (v2sf);
	v7 =	vld [tilespmem:s14+$0x0];
	v12 =	vsub.f32 v12, v10;
	v11 =	vadd.f32 v13, v11  }
0x16c: {  	(v2sf) =	vpush v3, $0xD;
	s28 =	simm.s32 $0x80;
	v10 =	vld [tilespmem:s29+$0x0];
	s29 =	spop (v2sf)  }
.LBB2_8:
0x16d: {  	p0 =	sne.s32 s28, $0x18C0;
	v11 =	vadd.f32 v12, v11;
	v5 =	vsub.f32 v8, v5;
	v8 =	vld [tilespmem:s26+$0x1106]  }
0x16e: {  	v12 =	vld [tilespmem:s29+$0x0];
	s29 =	spop (v2sf);
	(v2sf) =	vpush v3, $0xE  }
0x16f: {  	v5 =	vadd.f32 v5, v11;
	v6 =	vsub.f32 v9, v6;
	v9 =	vld [tilespmem:s26+$0x1107]  }
0x170: {  	v11 =	vld [tilespmem:s29+$0x0];
	s29 =	spop (v2sf);
	(v2sf) =	vpush v3, $0xF  }
0x171: {  	v3 =	vadd.s32 $0xD00, v7;
	v5 =	vadd.f32 v6, v5;
	v4 =	vsub.f32 v10, v4;
	v6 =	vld [tilespmem:s26+$0x1108]  }
0x172: {  	(v2sf) =	vpush v3, $0x0;
	v7 =	vld [tilespmem:s29+$0x0];
	s29 =	spop (v2sf)  }
0x173: {  	v4 =	vadd.f32 v4, v5;
	v5 =	vsub.f32 v12, v8;
	v8 =	vld [tilespmem:s26+$0x1109]  }
0x174: {  	(v2sf) =	vpush v3, $0x1;
	v10 =	vld [tilespmem:s29+$0x0]  }
0x175: {  	v4 =	vadd.f32 v5, v4;
	v5 =	vsub.f32 v11, v9;
	v9 =	vld [tilespmem:s26+$0x110A];
	s29 =	spop (v2sf)  }
0x176: {  	(v2sf) =	vpush v3, $0x2;
	v11 =	vld [tilespmem:s29+$0x0]  }
0x177: {  	v4 =	vadd.f32 v5, v4;
	v5 =	vsub.f32 v7, v6;
	v6 =	vld [tilespmem:s26+$0x110B];
	s29 =	spop (v2sf)  }
0x178: {  	(v2sf) =	vpush v3, $0x3;
	v7 =	vld [tilespmem:s29+$0x0]  }
0x179: {  	v4 =	vadd.f32 v5, v4;
	v5 =	vsub.f32 v10, v8;
	v8 =	vld [tilespmem:s26+$0x110C];
	s29 =	spop (v2sf)  }
0x17a: {  	(v2sf) =	vpush v3, $0x4;
	v10 =	vld [tilespmem:s29+$0x0]  }
0x17b: {  	v4 =	vadd.f32 v5, v4;
	v5 =	vsub.f32 v11, v9;
	v9 =	vld [tilespmem:s26+$0x110D];
	s29 =	spop (v2sf)  }
0x17c: {  	(v2sf) =	vpush v3, $0x5;
	v11 =	vld [tilespmem:s29+$0x0]  }
0x17d: {  	v4 =	vadd.f32 v5, v4;
	v5 =	vsub.f32 v7, v6;
	v6 =	vld [tilespmem:s26+$0x110E];
	s29 =	spop (v2sf)  }
0x17e: {  	(v2sf) =	vpush v3, $0x6;
	v7 =	vld [tilespmem:s29+$0x0]  }
0x17f: {  	v5 =	vadd.f32 v5, v4;
	v8 =	vsub.f32 v10, v8;
	v10 =	vld [tilespmem:s26+$0x110F];
	s29 =	spop (v2sf);
	s26 =	smov.u32 s14  }
0x180: {  	(v2sf) =	vpush v3, $0x7;
	v12 =	vld [tilespmem:s29+$0x0]  }
0x181: {  	v4 =	vld [tilespmem:s26+$0x1105];
	s14 =	spop (v2sf);
	v5 =	vadd.f32 v8, v5;
	v8 =	vsub.f32 v11, v9  }
0x182: {  	v9 =	vld [tilespmem:s26+$0x1100];
	(v2sf) =	vpush v3, $0x8  }
0x183: {  	v11 =	vld [tilespmem:s14+$0x0];
	s14 =	spop (v2sf);
	v5 =	vadd.f32 v8, v5;
	v6 =	vsub.f32 v7, v6  }
0x184: {  	v7 =	vld [tilespmem:s26+$0x1101];
	(v2sf) =	vpush v3, $0x9  }
0x185: {  	v13 =	vld [tilespmem:s14+$0x0];
	s14 =	spop (v2sf);
	v5 =	vadd.f32 v6, v5;
	v6 =	vsub.f32 v12, v10  }
0x186: {  	v10 =	vld [tilespmem:s26+$0x1102]  }
0x187: {  	v12 =	vld [tilespmem:s14+$0x0];
	s14 =	spop (v2sf);
	(v2sf) =	vpush v3, $0xA;
	v6 =	vadd.f32 v6, v5  }
0x188: {  	v9 =	vsub.f32 v11, v9;
	v5 =	vld [tilespmem:s26+$0x1103]  }
.Ltmp5:
0x189: {  	v8 =	vld [tilespmem:s14+$0x0];
	s29 =	spop (v2sf);
	(v2sf) =	vpush v3, $0xB;
	(pc) =	sbr.rel @p0 .LBB2_8-.Ltmp5, $4  }
0x18a: {  	v11 =	vadd.f32 v9, v6;
	v13 =	vsub.f32 v13, v7;
	v6 =	vld [tilespmem:s26+$0x1104]  }
0x18b: {  	s14 =	sshra.s32 s28, $0x2;
	v9 =	vld [tilespmem:s29+$0x0];
	s29 =	spop (v2sf);
	(v2sf) =	vpush v3, $0xC  }
0x18c: {  	v7 =	vld [tilespmem:s14+$0x0];
	v11 =	vadd.f32 v13, v11;
	v12 =	vsub.f32 v12, v10  }
0x18d: {  	s28 =	sadd.s32 $0x40, s28;
	v10 =	vld [tilespmem:s29+$0x0];
	s29 =	spop (v2sf);
	(v2sf) =	vpush v3, $0xD  }
0x18e: {  	v11 =	vadd.f32 v12, v11;
	v5 =	vsub.f32 v8, v5;
	v38 =	vld [tilespmem:s26+$0x1106]  }
0x18f: {  	v39 =	vld [tilespmem:s29+$0x0];
	(v2sf) =	vpush v3, $0xE  }
0x190: {  	v40 =	vld [tilespmem:s26+$0x1107];
	s28 =	spop (v2sf);
	v5 =	vadd.f32 v5, v11;
	v6 =	vsub.f32 v9, v6  }
0x191: {  	(v2sf) =	vpush v3, $0xF;
	v41 =	vld [tilespmem:s28+$0x0]  }
0x192: {  	v42 =	vld [tilespmem:s26+$0x1108];
	s28 =	spop (v2sf);
	v3 =	vadd.s32 $0xD00, v7;
	v5 =	vadd.f32 v6, v5;
	v4 =	vsub.f32 v10, v4  }
0x193: {  	(v2sf) =	vpush v3, $0x0;
	v43 =	vld [tilespmem:s28+$0x0]  }
0x194: {  	v45 =	vld [tilespmem:s26+$0x1109];
	s28 =	spop (v2sf);
	v44 =	vsub.f32 v39, v38;
	v4 =	vadd.f32 v4, v5  }
0x195: {  	(v2sf) =	vpush v3, $0x1;
	v46 =	vld [tilespmem:s28+$0x0]  }
0x196: {  	v48 =	vld [tilespmem:s26+$0x110A];
	v47 =	vsub.f32 v41, v40;
	v4 =	vadd.f32 v44, v4;
	s28 =	spop (v2sf)  }
0x197: {  	(v2sf) =	vpush v3, $0x2;
	v49 =	vld [tilespmem:s28+$0x0]  }
0x198: {  	v51 =	vld [tilespmem:s26+$0x110B];
	v50 =	vsub.f32 v43, v42;
	v4 =	vadd.f32 v47, v4;
	s28 =	spop (v2sf)  }
0x199: {  	(v2sf) =	vpush v3, $0x3;
	v52 =	vld [tilespmem:s28+$0x0]  }
0x19a: {  	v54 =	vld [tilespmem:s26+$0x110C];
	v53 =	vsub.f32 v46, v45;
	v4 =	vadd.f32 v50, v4;
	s28 =	spop (v2sf)  }
0x19b: {  	(v2sf) =	vpush v3, $0x4;
	v55 =	vld [tilespmem:s28+$0x0]  }
0x19c: {  	v57 =	vld [tilespmem:s26+$0x110D];
	v4 =	vadd.f32 v53, v4;
	v56 =	vsub.f32 v49, v48;
	s28 =	spop (v2sf)  }
0x19d: {  	(v2sf) =	vpush v3, $0x5;
	v58 =	vld [tilespmem:s28+$0x0]  }
0x19e: {  	v60 =	vld [tilespmem:s26+$0x110E];
	s28 =	spop (v2sf);
	v4 =	vadd.f32 v56, v4;
	v59 =	vsub.f32 v52, v51  }
0x19f: {  	(v2sf) =	vpush v3, $0x6;
	v61 =	vld [tilespmem:s28+$0x0]  }
0x1a0: {  	v63 =	vld [tilespmem:s26+$0x110F];
	s26 =	spop (v2sf);
	v4 =	vadd.f32 v59, v4;
	v62 =	vsub.f32 v55, v54  }
0x1a1: {  	(v2sf) =	vpush v3, $0x7;
	v12 =	vld [tilespmem:s26+$0x0]  }
0x1a2: {  	v14 =	vld [tilespmem:s14+$0x1100];
	s26 =	spop (v2sf);
	v4 =	vadd.f32 v62, v4;
	v13 =	vsub.f32 v58, v57  }
0x1a3: {  	(v2sf) =	vpush v3, $0x8;
	v15 =	vld [tilespmem:s26+$0x0]  }
0x1a4: {  	v17 =	vld [tilespmem:s14+$0x1101];
	s26 =	spop (v2sf);
	v16 =	vsub.f32 v61, v60;
	v4 =	vadd.f32 v13, v4  }
0x1a5: {  	(v2sf) =	vpush v3, $0x9;
	v18 =	vld [tilespmem:s26+$0x0]  }
0x1a6: {  	v20 =	vld [tilespmem:s14+$0x1102];
	v19 =	vsub.f32 v12, v63;
	s26 =	spop (v2sf);
	v4 =	vadd.f32 v16, v4  }
0x1a7: {  	(v2sf) =	vpush v3, $0xA;
	v21 =	vld [tilespmem:s26+$0x0]  }
0x1a8: {  	v23 =	vld [tilespmem:s14+$0x1103];
	s26 =	spop (v2sf);
	v22 =	vsub.f32 v15, v14;
	v4 =	vadd.f32 v19, v4  }
0x1a9: {  	(v2sf) =	vpush v3, $0xB;
	v24 =	vld [tilespmem:s26+$0x0]  }
0x1aa: {  	v26 =	vld [tilespmem:s14+$0x1104];
	v25 =	vsub.f32 v18, v17;
	s26 =	spop (v2sf);
	v4 =	vadd.f32 v22, v4  }
0x1ab: {  	(v2sf) =	vpush v3, $0xC;
	v27 =	vld [tilespmem:s26+$0x0]  }
0x1ac: {  	v28 =	vld [tilespmem:s14+$0x1105];
	s26 =	spop (v2sf);
	v29 =	vsub.f32 v21, v20;
	v4 =	vadd.f32 v25, v4  }
0x1ad: {  	(v2sf) =	vpush v3, $0xD;
	v30 =	vld [tilespmem:s26+$0x0]  }
0x1ae: {  	v32 =	vld [tilespmem:s14+$0x1106];
	s26 =	spop (v2sf);
	v31 =	vsub.f32 v24, v23;
	v4 =	vadd.f32 v29, v4  }
0x1af: {  	(v2sf) =	vpush v3, $0xE;
	v33 =	vld [tilespmem:s26+$0x0]  }
0x1b0: {  	v35 =	vld [tilespmem:s14+$0x1107];
	s26 =	spop (v2sf);
	v34 =	vsub.f32 v27, v26;
	v4 =	vadd.f32 v31, v4  }
0x1b1: {  	(v2sf) =	vpush v3, $0xF;
	v36 =	vld [tilespmem:s26+$0x0]  }
0x1b2: {  	v38 =	vld [tilespmem:s14+$0x1108];
	s26 =	spop (v2sf);
	v37 =	vsub.f32 v30, v28;
	v3 =	vadd.f32 v34, v4  }
0x1b3: {  	v39 =	vld [tilespmem:s26+$0x0]  }
0x1b4: {  	v41 =	vld [tilespmem:s14+$0x1109];
	s26 =	spop (v2sf);
	v40 =	vsub.f32 v33, v32;
	v3 =	vadd.f32 v37, v3  }
0x1b5: {  	v42 =	vld [tilespmem:s26+$0x0]  }
0x1b6: {  	v44 =	vld [tilespmem:s14+$0x110A];
	v43 =	vsub.f32 v36, v35;
	s26 =	spop (v2sf);
	v3 =	vadd.f32 v40, v3  }
0x1b7: {  	v45 =	vld [tilespmem:s26+$0x0]  }
0x1b8: {  	v47 =	vld [tilespmem:s14+$0x110B];
	v46 =	vsub.f32 v39, v38;
	s26 =	spop (v2sf);
	v3 =	vadd.f32 v43, v3  }
0x1b9: {  	v48 =	vld [tilespmem:s26+$0x0]  }
0x1ba: {  	v50 =	vld [tilespmem:s14+$0x110C];
	v49 =	vsub.f32 v42, v41;
	s26 =	spop (v2sf);
	v3 =	vadd.f32 v46, v3  }
0x1bb: {  	v51 =	vld [tilespmem:s26+$0x0]  }
0x1bc: {  	v53 =	vld [tilespmem:s14+$0x110D];
	v52 =	vsub.f32 v45, v44;
	s26 =	spop (v2sf);
	v3 =	vadd.f32 v49, v3  }
0x1bd: {  	v54 =	vld [tilespmem:s26+$0x0]  }
0x1be: {  	v56 =	vld [tilespmem:s14+$0x110E];
	s26 =	spop (v2sf);
	v55 =	vsub.f32 v48, v47;
	v3 =	vadd.f32 v52, v3  }
0x1bf: {  	v57 =	vld [tilespmem:s26+$0x0]  }
0x1c0: {  	v59 =	vld [tilespmem:s14+$0x110F];
	s26 =	spop (v2sf);
	v58 =	vsub.f32 v51, v50;
	v3 =	vadd.f32 v55, v3  }
0x1c1: {  	v60 =	vld [tilespmem:s26+$0x0]  }
0x1c2: {  	v61 =	vsub.f32 v54, v53;
	v3 =	vadd.f32 v58, v3;
	_ =	sdelay $0x1  }
0x1c3: {  	v62 =	vsub.f32 v57, v56;
	v3 =	vadd.f32 v61, v3;
	_ =	sdelay $0x1  }
0x1c4: {  	v63 =	vsub.f32 v60, v59;
	v3 =	vadd.f32 v62, v3  }
0x1c5: {  	s26 =	simm.s32 $0x4  }
0x1c6: {  	_ =	swait.ge [sflag:s26], $0xA000;
	v3 =	vadd.f32 v63, v3  }
0x1c7: {  	[sflag:s26] =	ssyncset.done $0x0  }
0x1c8: {  	[sflag:s26] =	ssyncadd.s32 $0xFFFF6000;
	v3 =	vnsel vm1, $0x0, v3  }
0x1c9: {  	s14 =	rddreg [dreg:$0x6];
	s26 =	simm.s32 $0x15780;
	[tilespmem:$0x15780] =	vst v3  }
0x1ca: {  	[hbm4b:s14+s3] =	stream.linear.scatter [tilespmem:s26], [sflag:$0x6], $0x10, $0x38;
	[tilespmem:$0x15800] =	vst v63  }
0x1cb: {  	s26 =	simm.s32 $0x6  }
0x1cc: {  	_ =	swait.ge [sflag:s26], $0x10  }
0x1cd: {  	s28 =	rddreg [dreg:$0x8]  }
0x1ce: {  	s14 =	rddreg [dreg:$0x7];
	s28 =	sadd.s32 $0x1, s28  }
0x1cf: {  	p0 =	sne.s32 s28, s14  }
.Ltmp6:
0x1d0: {  	_ = 	snop;
	(pc) =	sbr.rel @p0 .LBB2_1-.Ltmp6, $3  }
0x1d1: {  	_ =	sdelay $0x1  }
0x1d2: {  	[sflag:s26] =	ssyncset.done $0x0  }
0x1d3: {  	s29 =	simm.s32 $0x680;
	[sflag:s26] =	ssyncadd.s32 $0xFFFFFFF0  }
0x1d4: {  	_ =	sfence.sel $0x180000  }
0x1d5: {  	[bflag:$0x0] =	sbarrier.arrive $0xFFFF  }
0x1d6: {  	_ =	strace $0x90000047  }
0x1d7: {  	s0 =	stileid.u32;
	[bflag:$0x2] =	sbarrier.arrive $0xFFFF  }
0x1d8: {  	p0 =	sne.s32 s0, $0x0;
	s0 =	rddreg [dreg:$0x2]  }
0x1d9: {  	s0 =	sadd.s32 @!p0 $0x100000, s0  }
0x1da: {  	[sflag:s0] =	ssyncadd.tile.s32 @!p0 $0x1;
	_ =	shalt  }
.Lfunc_end2:
_tile_overlayer_lowered:
.L_overlay_start_2:
0x1db: {  	(tag) =	ssettag $0x2  }
0x1dc: {  	s0 =	rddreg [dreg:$0x0];
	s2 =	stileid.u32  }
0x1dd: {  	s1 =	rddreg [dreg:$0x1];
	p0 =	sne.s32 s2, $0x0  }
0x1de: {  	s3 =	rddreg [dreg:$0x2];
	[bflag:$0x3] =	sbarrier.arrive $0xFFFF;
	s2 =	simm.s32 @!p0 $0x1C06  }
0x1df: {  	[timem:s3], [sflag:s2] =	dma.local @!p0 [hbm:s0], s1  }
0x1e0: {  	s0 =	simm.s32 @!p0 $0x6  }
0x1e1: {  	_ =	swait.ge @!p0 [sflag:s0], s1  }
0x1e2: {  	s1 =	ssub.s32 @!p0 $0x0, s1;
	[sflag:s0] =	ssyncset.done @!p0 $0x0  }
0x1e3: {  	[sflag:s0] =	ssyncadd.s32 @!p0 s1  }
0x1e4: {  	[bflag:$0x3] =	sbarrier.arrive $0xFFFF  }
0x1e5: {  	_ =	shalt  }

// kernel: sparse-core-data-format-call.cloned.1.call-start
scs
called_computation_lowered:
.L_overlay_start_0:
0x0: {  	s2 =	sld [smem:$0x3FD9]  }
0x1: {  	s3 =	sld [smem:$0x3FFE];
	_ =	sdelay $0x1  }
0x2: {  	s1 =	srdreg.scid  }
0x3: {  	s0 =	sand.u32 $0x1, s1  }
0x4: {  	s15 =	sshll.u32 s0, $0xA;
	s2 =	sadd.s32 s3, s2  }
0x5: {  	s2 =	sadd.s32 s2, s15  }
0x6: {  	[smem:$0x3FC5] =	sst s2  }
0x7: {  	_ = 	snop  }
0x8: {  	s2 =	sld [smem:$0x3FD0];
	_ =	sdelay $0x2  }
0x9: {  	s16 =	simm.s32 $0xA;
	s4 =	simm.s32 $0x10  }
0xa: {  	[smem:s4], [sflag:s16] =	dma.local [hbm:s2], $0x1  }
0xb: {  	_ =	swait.eq [sflag:s16], $0x1  }
0xc: {  	[sflag:s16] =	ssyncset.done $0x0  }
0xd: {  	[sflag:s16] =	ssyncadd.s32 $0xFFFFFFFF  }
0xe: {  	s17 =	sld [smem:$0x10];
	(tm) =	ssettm $0x1  }
0xf: {  	s18 =	sld [smem:$0x3FFB];
	_ =	sdelay $0x3  }
0x10: {  	_ =	strace s18  }
0x11: {  	s3 =	sld [smem:$0x3FFC];
	_ =	sdelay $0x3  }
0x12: {  	_ =	strace s3  }
0x13: {  	s3 =	sld [smem:$0x3FFD];
	_ =	sdelay $0x3  }
0x14: {  	_ =	strace s3  }
0x15: {  	_ =	strace $0x8FFFFFFF  }
0x16: {  	s19 =	sld [smem:$0x3FDB];
	_ =	sdelay $0x1  }
0x17: {  	s20 =	simm.s32 $_scs_section_size  }
0x18: {  	s5 =	simm.s32 $_size__tile_overlayer_lowered;
	s6 =	simm.s32 $_tile_overlayer_lowered  }
0x19: {  	s23 =	simm.s32 $0x1BFF;
	s22 =	sshll.u32 s6, $0x1;
	s3 =	sadd.s32 s20, s19  }
0x1a: {  	s7 =	simm.s32 $0x0;
	s21 =	sshll.u32 s5, $0x1;
	s5 =	sadd.s32 s22, s3  }
0x1b: {  	[timem:s7], [sflag:s23] =	dma.local [hbm:s5], s21  }
0x1c: {  	_ =	swait.ge [sflag:s23], s21  }
0x1d: {  	s4 =	ssub.s32 $0x0, s21;
	[sflag:s23] =	ssyncset.done $0x0  }
0x1e: {  	[sflag:s23] =	ssyncadd.s32 s4;
	_ =	sdelay $0x1  }
0x1f: {  	s24 =	simm.s32 $0x1B8B  }
0x20: {  	_ =	swait.ge [sflag:s24], $0x1  }
0x21: {  	[sflag:s24] =	ssyncset.done $0x0  }
0x22: {  	s26 =	simm.s32 $0x1B8E;
	s25 =	sld [smem:$0x3FFE];
	[sflag:s24] =	ssyncadd.s32 $0xFFFFFFFF  }
0x23: {  	s27 =	simm.s32 $execute0_lowered;
	[smem:$0x3FD2] =	sst s26  }
0x24: {  	s5 =	sshll.u32 s27, $0x1;
	_ =	strace $0x80000049;
	[dreg:$0x1] =	wrdreg $0xFFFFFFFF  }
0x25: {  	s28 =	simm.s32 $_size_execute0_lowered;
	s3 =	sadd.s32 s3, s5;
	[dreg:$0x0] =	wrdreg $0x0  }
0x26: {  	s5 =	sshll.u32 s28, $0x1;
	[dreg:$0x2] =	wrdreg s3  }
0x27: {  	[dreg:$0x3] =	wrdreg s5  }
0x28: {  	[dreg:$0x4] =	wrdreg $0xC0  }
0x29: {  	_ =	task [dreg:s7], $0x5FFFF  }
0x2a: {  	[dreg:$0x1] =	wrdreg $0xFFFFFFFF  }
0x2b: {  	[dreg:$0x0] =	wrdreg $0x60  }
0x2c: {  	[dreg:$0x2] =	wrdreg s25  }
0x2d: {  	[dreg:$0x3] =	wrdreg s17  }
0x2e: {  	[dreg:$0x4] =	wrdreg $0x9  }
0x2f: {  	_ =	task.clear_ibuf [dreg:s7], $0x5FFFF;
	_ =	strace $0x90000049  }
0x30: {  	s29 =	simm.s32 $0x9;
	_ =	strace $0x8000004B  }
0x31: {  	_ =	swait.ge [sflag:s29], $0x1  }
0x32: {  	[sflag:s29] =	ssyncadd.s32 $0xFFFFFFFF  }
0x33: {  	_ =	strace $0x9000004B  }
0x34: {  	_ =	sfence  }
0x35: {  	s30 =	sld [smem:$0x0];
	_ =	sdelay $0x2  }
0x36: {  	s31 =	sshll.u32 s1, $0xD;
	s1 =	sshrl.u32 s1, $0x2  }
0x37: {  	s3 =	sand.u32 $0x4000, s31;
	s1 =	sadd.s32 s1, s30  }
0x38: {  	s0 =	sor.u32 s3, s0;
	s1 =	sshll.u32 s1, $0x11  }
0x39: {  	s0 =	sor.u32 s1, s0  }
0x3a: {  	s0 =	sadd.s32 $0x8F2B, s0  }
0x3b: {  	[sflag:s0] =	ssyncadd.remote.s32 $0x1  }
0x3c: {  	_ =	sfence.sel $0xFFFF  }
0x3d: {  	[dreg:$0x0] =	wrdreg $0xFFFFFFFF;
	(pc) =	sbr.abs _section_cstart, $3  }
0x3e: {  	[dreg:$0x1] =	wrdreg $0xFFFFFFFF  }
0x3f: {  	_ =	task.clear_ibuf [dreg:s7], $0x2FFFF;
	_ =	strace $0x9FFFFFFF  }
0x40: {  	(tm) =	ssettm $0x7FFFFFFF  }
0x41: {  	_ =	shalt  }
tec
execute0_lowered:
.L_overlay_start_1:
0x0: {  	(tag) =	ssettag $0x1  }
0x1: {  	s4 =	rddreg [dreg:$0x0]  }
0x2: {  	s2 =	rddreg [dreg:$0x1];
	s1 =	stileid.u32  }
0x3: {  	s3 =	srdreg.scid;
	s0 =	rddreg [dreg:$0x2];
	_ =	strace $0x8000004A  }
0x4: {  	s10 =	simm.s32 $0x2;
	s14 =	simm.s32 $0x0;
	s16 =	simm.s32 $0x0  }
0x5: {  	s12 =	simm.s32 $0x0;
	s15 =	simm.s32 $0x0;
	s3 =	sshll.u32 s3, $0x4  }
0x6: {  	s5 =	sshll.u32 s1, $0x7;
	s4 =	sadd.s32 $0x23400, s4;
	s6 =	sand.u32 $0x10, s3  }
0x7: {  	s3 =	sand.u32 $0x180, s5;
	s5 =	simm.s32 $0x1;
	s8 =	sor.u32 s1, s6  }
0x8: {  	s31 =	ssub.s32 $0xC800, s3;
	[sflag:s5] =	ssyncpa.u1 $0x0;
	s13 =	smov.u32 s3  }
.Ltmp0:
0x9: {  	s7 =	sshll.u32 s8, $0x5;
	s9 =	sand.u32 $0x180, s31;
	(pc) =	sbr.rel .LBB1_1-.Ltmp0, $4  }
0xa: {  	s11 =	sshrl.u32 s31, $0x9;
	p0 =	sne.s32 s9, $0x0;
	s9 =	simm.s32 $0x1  }
0xb: {  	[sflag:s10] =	ssyncpa.u1 $0x0;
	s8 =	sshll.u32 s8, $0x8;
	s9 =	simm.s32 @!p0 $0x0  }
0xc: {  	s10 =	simm.s32 $0x64000;
	s6 =	sand.u32 $0x380, s7;
	s7 =	sadd.s32 s9, s11  }
0xd: {  	p0 =	por $0x0, $0x0;
	s11 =	simm.s32 $0x0;
	s9 =	sadd.s32 $0x1, s7  }
.LBB1_4:
0xe: {  	s22 =	sshrl.u32 s11, $0x3  }
0xf: {  	s23 =	sshll.u32 s12, $0x3;
	s24 =	sand.u32 $0x7F, s12;
	s22 =	smul.u32 $0x64000, s22  }
0x10: {  	v5 =	vld [tilespmem:s18+$0xFFFFFFD0];
	s21 =	sshra.s32 s21, $0x2;
	s25 =	sshra.s32 s12, $0x1F;
	s23 =	sand.u32 $0xFFFFFC00, s23  }
0x11: {  	[tilespmem:s20+$0x2040 ss:$0x81] =	vst.msk $0xffff, v4;
	v58 =	vld [tilespmem:s18+$0xFFFFFFE0];
	p1 =	sgt.s32 s12, $0xC780;
	s25 =	sand.u32 s25, s12;
	s22 =	sadd.s32 s23, s22  }
0x12: {  	[tilespmem:s20+$0x2850 ss:$0x81] =	vst.msk $0xffff, v3;
	v59 =	vld [tilespmem:s18+$0xFFFFFFF0];
	s23 =	sor.u32 s24, s22;
	s22 =	smulhi.u32 $0x51EB851F, s22;
	s24 =	smov.u32 s12  }
0x13: {  	[tilespmem:s20+$0x3060 ss:$0x81] =	vst.msk $0xffff, v2;
	v60 =	vld [tilespmem:s18+$0x0];
	s19 =	sadd.s32 s21, s19;
	s26 =	smulhi.u32 $0x51EB851F, s23;
	s24 =	simm.s32 @!p1 $0xC780  }
0x14: {  	[tilespmem:s20+$0x0 ss:$0x81] =	vst.msk $0xffff, v0;
	v61 =	vld [tilespmem:s18+$0x10];
	p1 =	sgt.s32 s11, $0x368;
	s28 =	sshrl.u32 s22, $0xE;
	s29 =	ssub.s32 s24, s25  }
0x15: {  	[tilespmem:s19+$0x3870 ss:$0x81] =	vst.msk $0xffff, v1;
	s30 =	sshrl.u32 s26, $0xE;
	s31 =	smulhi.u32 $0x418938, s28;
	s25 =	sadd.s32 $0xFFFF3880, s29  }
0x16: {  	v62 =	vld [tilespmem:s18+$0x20];
	[tilespmem:s19+$0x810 ss:$0x81] =	vst.msk $0xffff, v5;
	s22 =	smul.u32 $0xC800, s30;
	p2 =	sgt.s32 s25, $0x7F;
	s25 =	smov.u32 s11  }
0x17: {  	v63 =	vld [tilespmem:s18+$0xFFFFFFC0];
	[tilespmem:s19+$0x1020 ss:$0x81] =	vst.msk $0xffff, v58;
	s21 =	ssub.s32 $0xC800, s29;
	s25 =	simm.s32 @!p1 $0x368;
	s26 =	smul.u32 $0x3E8, s31  }
0x18: {  	[tilespmem:s19+$0x1830 ss:$0x81] =	vst.msk $0xffff, v59;
	s21 =	simm.s32 @p2 $0x0;
	s27 =	ssub.s32 $0x3E8, s25  }
0x19: {  	[tilespmem:s19+$0x2040 ss:$0x81] =	vst.msk $0xffff, v60;
	s22 =	ssub.s32 s23, s22;
	s18 =	ssub.s32 s28, s26;
	s28 =	smul.u32 s27, s21  }
0x1a: {  	[tilespmem:s19+$0x2850 ss:$0x81] =	vst.msk $0xffff, v61;
	s29 =	sshrl.u32 s22, $0x3;
	s22 =	sand.u32 $0x7, s22;
	s18 =	smul.u32 $0x1900, s18  }
0x1b: {  	[tilespmem:s19+$0x3060 ss:$0x81] =	vst.msk $0xffff, v62;
	s21 =	sadd.s32 s2, s29;
	s22 =	sshll.u32 s22, $0x12  }
0x1c: {  	[tilespmem:s19+$0x0 ss:$0x81] =	vst.msk $0xffff, v63;
	s30 =	sand.u32 $0x3FFFFFF8, s28;
	s31 =	sor.u32 $0x400, s22;
	s18 =	sadd.s32 s18, s21  }
0x1d: {  	[hbm4b:s18+s31] =	stream.strided.scatter [tilespmem:s17], [sflag:$0x2], s30, s10, s31, $0x20;
	[tilespmem:$0x10100] =	vst v63  }
.LBB1_5:
0x1e: {  	p1 =	slt.u32 s15, $0x2  }
0x1f: {  	p2 =	sgt.s32 @!p1 s16, $0xC780  }
0x20: {  	s17 =	smov.u32 s16;
	s18 =	sshra.s32 @!p1 s16, $0x1F;
	p2 =	por !p2, p1  }
0x21: {  	s16 =	sand.u32 @!p1 s18, s16;
	s17 =	simm.s32 @p2 $0xC780  }
0x22: {  	s16 =	ssub.s32 @!p1 s17, s16  }
0x23: {  	p2 =	sgt.s32 @!p1 s14, $0x368;
	s17 =	sadd.s32 @!p1 $0xFFFF3880, s16  }
0x24: {  	s18 =	sadd.s32 $0x200, s13;
	p2 =	por !p2, p1;
	p3 =	sgt.s32 @!p1 s17, $0x7F  }
0x25: {  	s14 =	simm.s32 @p2 $0x368;
	s16 =	ssub.s32 @!p1 $0xC800, s16;
	p2 =	por !p3, p1  }
0x26: {  	s14 =	ssub.s32 @!p1 $0x3E8, s14;
	s16 =	simm.s32 @!p2 $0x0;
	p2 =	sgt.s32 s18, $0xC7FF  }
0x27: {  	s14 =	smul.u32 @!p1 s14, s16;
	s18 =	smov.u32 @p2 s3;
	p2 =	sne.s32 s15, s9  }
.Ltmp1:
0x28: {  	s20 =	sadd.s32 $0x1, s15;
	p0 =	por !p0, !p0;
	(pc) =	sbr.rel @!p2 .LBB1_6-.Ltmp1, $4  }
0x29: {  	s17 =	simm.s32 @!p1 $0x2;
	s16 =	smov.u32 s12;
	s14 =	sand.u32 @!p1 $0x3FFFFFFF, s14  }
0x2a: {  	s12 =	smov.u32 s13;
	s15 =	smov.u32 s20;
	_ =	swait.ge @!p1 [sflag:s17], s14  }
0x2b: {  	s13 =	smov.u32 s18;
	s19 =	ssub.s32 @!p1 $0x0, s14;
	[sflag:s17] =	ssyncset.done @!p1 $0x0  }
0x2c: {  	s14 =	smov.u32 s11;
	s11 =	smov.u32 s6;
	[sflag:s17] =	ssyncadd.s32 @!p1 s19  }
.LBB1_1:
0x2d: {  	p1 =	sge.u32 s15, s7  }
0x2e: {  	s17 =	sshll.u32 @!p1 s13, $0xA  }
0x2f: {  	s17 =	sand.u32 @!p1 $0xFFFFE000, s17  }
0x30: {  	s17 =	sor.u32 @!p1 s8, s17  }
0x31: {  	s17 =	sshrl.u32 @!p1 s17, $0xA  }
0x32: {  	s18 =	smulhi.u32 @!p1 $0x28F5C3, s17;
	_ =	sdelay $0x1  }
0x33: {  	s18 =	sshrl.u32 @!p1 s18, $0x5  }
0x34: {  	s18 =	smul.u32 @!p1 $0xC800, s18  }
0x35: {  	s31 =	sadd.s32 $0xFFFFFFFF, s15;
	s19 =	sxor.u32 @!p1 $0xFFFFFFFF, s15;
	s20 =	sshll.u32 @!p1 s13, $0x4  }
0x36: {  	s19 =	sshll.u32 @!p1 s19, $0xE;
	s17 =	ssub.s32 @!p1 s17, s18;
	s18 =	sand.u32 @!p1 $0x70, s20  }
0x37: {  	s19 =	sand.u32 @!p1 $0x4000, s19;
	s17 =	sshll.u32 @!p1 s17, $0x7;
	s18 =	sadd.s32 @!p1 s4, s18  }
0x38: {  	s20 =	simm.s32 @!p1 $0x2000;
	s17 =	sadd.s32 @!p1 s17, s18;
	s18 =	simm.s32 @!p1 $0x400  }
0x39: {  	[tilespmem:s19], [sflag:$0x1] =	stream.strided.gather @!p1 [hbm4b:s17+s18], $0x4000, s20, s18, $0x38;
	[tilespmem:$0x10100] =	vst v63  }
0x3a: {  	p1 =	sge.u32 s31, s7  }
.Ltmp2:
0x3b: {  	_ = 	snop;
	(pc) =	sbr.rel @p1 .LBB1_5-.Ltmp2, $1  }
0x3c: {  	_ =	sdelay $0x3  }
0x3d: {  	s17 =	simm.s32 $0x1  }
0x3e: {  	_ =	swait.ge [sflag:s5], $0x4000;
	s17 =	simm.s32 @!p0 $0x0  }
0x3f: {  	[sflag:s5] =	ssyncset.done $0x0;
	s18 =	sshll.u32 s17, $0xE  }
0x40: {  	[sflag:s5] =	ssyncadd.s32 $0xFFFFC000;
	s18 =	sor.u32 $0x40, s18  }
0x41: {  	s17 =	smul.u32 $0x10200, s17;
	v0 =	vld [tilespmem:s18+$0x30]  }
0x42: {  	v1 =	vld [tilespmem:s18+$0xFFFFFFD0]  }
0x43: {  	s17 =	sshrl.u32 s17, $0x2;
	v5 =	vld [tilespmem:s18+$0xFFFFFFE0]  }
0x44: {  	v6 =	vld [tilespmem:s18+$0xFFFFFFF0];
	s19 =	sor.u32 $0x8000, s17  }
0x45: {  	s31 =	sand.u32 $0x1, s15;
	v4 =	vld [tilespmem:s18+$0x0];
	s20 =	sadd.s32 $0x0, s19  }
0x46: {  	v3 =	vld [tilespmem:s18+$0x10];
	s17 =	smul.u32 $0x10200, s31;
	[tilespmem:s20+$0x3870 ss:$0x81] =	vst.msk $0xffff, v0  }
0x47: {  	v2 =	vld [tilespmem:s18+$0x20];
	[tilespmem:s20+$0x810 ss:$0x81] =	vst.msk $0xffff, v1  }
0x48: {  	s17 =	sshrl.u32 s17, $0x2;
	v0 =	vld [tilespmem:s18+$0xFFFFFFC0];
	[tilespmem:s20+$0x1020 ss:$0x81] =	vst.msk $0xffff, v5;
	s18 =	sadd.s32 $0x80, s18  }
0x49: {  	s21 =	simm.s32 $0x4;
	s22 =	simm.s32 $0x8;
	s17 =	sor.u32 $0x8000, s17;
	[tilespmem:s20+$0x1830 ss:$0x81] =	vst.msk $0xffff, v6;
	v1 =	vld [tilespmem:s18+$0x30]  }
.LBB1_3:
0x4a: {  	p1 =	sne.s32 s22, $0x1FC;
	v5 =	vld [tilespmem:s18+$0xFFFFFFD0];
	[tilespmem:s20+$0x2040 ss:$0x81] =	vst.msk $0xffff, v4  }
0x4b: {  	v6 =	vld [tilespmem:s18+$0xFFFFFFE0];
	[tilespmem:s20+$0x2850 ss:$0x81] =	vst.msk $0xffff, v3  }
0x4c: {  	s23 =	sshra.s32 s21, $0x2;
	s21 =	smov.u32 s22;
	v7 =	vld [tilespmem:s18+$0xFFFFFFF0];
	[tilespmem:s20+$0x3060 ss:$0x81] =	vst.msk $0xffff, v2  }
.Ltmp3:
0x4d: {  	v4 =	vld [tilespmem:s18+$0x0];
	[tilespmem:s20+$0x0 ss:$0x81] =	vst.msk $0xffff, v0;
	s20 =	sadd.s32 s23, s19;
	(pc) =	sbr.rel @p1 .LBB1_3-.Ltmp3, $4  }
0x4e: {  	v3 =	vld [tilespmem:s18+$0x10];
	[tilespmem:s20+$0x3870 ss:$0x81] =	vst.msk $0xffff, v1  }
0x4f: {  	[tilespmem:s20+$0x810 ss:$0x81] =	vst.msk $0xffff, v5;
	v2 =	vld [tilespmem:s18+$0x20]  }
0x50: {  	v0 =	vld [tilespmem:s18+$0xFFFFFFC0];
	[tilespmem:s20+$0x1020 ss:$0x81] =	vst.msk $0xffff, v6;
	s18 =	sadd.s32 $0x80, s18  }
0x51: {  	s22 =	sadd.s32 $0x4, s22;
	v1 =	vld [tilespmem:s18+$0x30];
	[tilespmem:s20+$0x1830 ss:$0x81] =	vst.msk $0xffff, v7  }
.Ltmp4:
0x52: {  	_ = 	snop;
	(pc) =	sbr.rel .LBB1_4-.Ltmp4, $1  }
0x53: {  	_ =	sdelay $0x3  }
.LBB1_6:
0x54: {  	_ =	sfence.sel $0x180000  }
0x55: {  	s2 =	simm.s32 $0x1;
	[bflag:$0x0] =	sbarrier.arrive $0xFFFF  }
0x56: {  	s31 =	simm.s32 $0x2;
	[sflag:s2] =	ssyncpa.u1 $0x1  }
0x57: {  	[sflag:s31] =	ssyncpa.u1 $0x1  }
0x58: {  	p0 =	sne.s32 s1, $0x0;
	_ =	strace $0x9000004A  }
0x59: {  	s0 =	sadd.s32 @!p0 $0x100000, s0;
	[bflag:$0x2] =	sbarrier.arrive $0xFFFF  }
0x5a: {  	[sflag:s0] =	ssyncadd.tile.s32 @!p0 $0x1;
	_ =	shalt  }
.Lfunc_end1:
_tile_overlayer_lowered:
.L_overlay_start_2:
0x5b: {  	(tag) =	ssettag $0x2  }
0x5c: {  	s0 =	rddreg [dreg:$0x0];
	s2 =	stileid.u32  }
0x5d: {  	s1 =	rddreg [dreg:$0x1];
	p0 =	sne.s32 s2, $0x0  }
0x5e: {  	s3 =	rddreg [dreg:$0x2];
	[bflag:$0x3] =	sbarrier.arrive $0xFFFF;
	s2 =	simm.s32 @!p0 $0x1C01  }
0x5f: {  	[timem:s3], [sflag:s2] =	dma.local @!p0 [hbm:s0], s1  }
0x60: {  	s0 =	simm.s32 @!p0 $0x1  }
0x61: {  	_ =	swait.ge @!p0 [sflag:s0], s1  }
0x62: {  	s1 =	ssub.s32 @!p0 $0x0, s1;
	[sflag:s0] =	ssyncset.done @!p0 $0x0  }
0x63: {  	[sflag:s0] =	ssyncadd.s32 @!p0 s1  }
0x64: {  	[bflag:$0x3] =	sbarrier.arrive $0xFFFF  }
0x65: {  	_ =	shalt  }

</sc_bundles>
